<compile_context>
chip_gen: v7x
topology: tpu7x:2x2x1
jax: 0.10.2.dev20260603
libtpu: 0.0.44.dev20260713+nightly
codegen_flags: <defaults>
</compile_context>

<pallas_src>
import functools

import jax
import jax.numpy as jnp
from jax import lax
from jax.experimental import pallas as pl
from jax.experimental.pallas import tpu as pltpu
from jax.experimental.pallas import tpu_sc as plsc

NUM_SEQ = 16384
SEQ = 50
DIM = 64
VOCAB = 1_000_000
VB = 8192
BT = 4096
NC = 2
NS = 16
NW = NC * NS
CHUNK = 128
BPW = NUM_SEQ // NW
G = BPW // CHUNK
NBUF = 2

_mesh = plsc.VectorSubcoreMesh(core_axis_name="c", subcore_axis_name="s")


@functools.partial(
    pl.kernel,
    mesh=_mesh,
    out_type=jax.ShapeDtypeStruct((SEQ, NUM_SEQ, DIM), jnp.float32),
    scratch_types=[
        pltpu.VMEM((SEQ, BPW), jnp.int32),
        pltpu.VMEM((NBUF, BPW, DIM), jnp.float32),
        pltpu.SemaphoreType.DMA((NBUF,)),
        pltpu.SemaphoreType.DMA((NBUF,)),
    ],
    compiler_params=pltpu.CompilerParams(use_tc_tiling_on_sc=False),
)
def _embed_kernel(idsT_hbm, table_hbm, out_hbm, idx_v, rows_v, sem_g, sem_w):
    wid = lax.axis_index("s") * NC + lax.axis_index("c")
    b0 = pl.multiple_of(wid * BPW, 128)
    pltpu.sync_copy(idsT_hbm.at[:, pl.ds(b0, BPW)], idx_v)

    def gather_descs(buf, s):
        return [
            pltpu.make_async_copy(
                table_hbm.at[idx_v.at[s, pl.ds(j * CHUNK, CHUNK)]],
                rows_v.at[buf, pl.ds(j * CHUNK, CHUNK)],
                sem_g.at[buf],
            )
            for j in range(G)
        ]

    def write_desc(buf, s):
        return pltpu.make_async_copy(
            rows_v.at[buf], out_hbm.at[s, pl.ds(b0, BPW)], sem_w.at[buf]
        )

    def start_gathers(buf, s):
        for d in gather_descs(buf, s):
            d.start()

    def step(buf, s):
        for d in gather_descs(buf, s):
            d.wait()
        write_desc(buf, s).start()
        write_desc(buf, s).wait()

        @pl.when(s + NBUF < SEQ)
        def _():
            start_gathers(buf, s + NBUF)

    for b in range(NBUF):
        start_gathers(b, b)

    def body(t, carry):
        for b in range(NBUF):
            step(b, t * NBUF + b)
        return carry

    lax.fori_loop(0, SEQ // NBUF, body, 0)


def _repack_body(wt_ref, out_ref):
    x = wt_ref[...]
    eye = jnp.eye(DIM, dtype=jnp.float32)
    out_ref[...] = jax.lax.dot_general(
        x, eye, (((0,), (0,)), ((), ())),
        preferred_element_type=jnp.float32,
    )


_repack = pl.pallas_call(
    _repack_body,
    grid=(pl.cdiv(VOCAB, VB),),
    in_specs=[pl.BlockSpec((DIM, VB), lambda i: (0, i))],
    out_specs=pl.BlockSpec((VB, DIM), lambda i: (i, 0)),
    out_shape=jax.ShapeDtypeStruct((VOCAB, DIM), jnp.float32),
)


def _tx_body(in_ref, out_ref):
    x = in_ref[...].reshape(BT, DIM)
    eye = jnp.eye(DIM, dtype=jnp.float32)
    xt = jax.lax.dot_general(
        eye, x, (((1,), (1,)), ((), ())),
        preferred_element_type=jnp.float32,
    )
    out_ref[...] = xt.reshape(1, DIM, BT)


_tx = pl.pallas_call(
    _tx_body,
    grid=(SEQ, NUM_SEQ // BT),
    in_specs=[pl.BlockSpec((1, BT, DIM), lambda s, b: (s, b, 0))],
    out_specs=pl.BlockSpec((1, DIM, BT), lambda s, b: (s, 0, b)),
    out_shape=jax.ShapeDtypeStruct((SEQ, DIM, NUM_SEQ), jnp.float32),
)


def kernel(input_ids, weight):
    table = _repack(weight.T)
    rm = _embed_kernel(input_ids.T.astype(jnp.int32), table)
    outT = _tx(rm)
    return outT.transpose(2, 0, 1)

# --- scband reference (transcript-rebuilt; emitter-appended) ---
"""Pipeline reference for scband-vocab-parallel-embedding-83090437308954 (READ-ONLY COPY).

The authoritative reference and input builder live on the scoring server;
editing this copy changes nothing except your own understanding.
"""

import jax, jax.numpy as jnp
import numpy as np

NUM_EMBEDDINGS = 1000000
EMBEDDING_DIM = 64

def setup_inputs(seed: int = 0) -> dict:
    key = jax.random.key(seed)
    k1, k2 = jax.random.split(key)
    input_ids = jax.random.randint(k1, (16384, 50), 0, NUM_EMBEDDINGS, dtype=jnp.int64 if jax.config.jax_enable_x64 else jnp.int32)
    weight = jax.random.normal(k2, (NUM_EMBEDDINGS, EMBEDDING_DIM), dtype=jnp.float32)
    return {"input_ids": input_ids, "weight": weight}

def reference(input_ids, weight):
    # nn.Embedding forward: gather rows of the table by index
    return jnp.take(weight, input_ids, axis=0)

if __name__ == "__main__":
    import jax
    _d = setup_inputs()
    print(jax.jit(kernel)(*tuple(_d.values())))

</pallas_src>

<mosaic_0001>
#map = affine_map<(d0, d1) -> (0, 0)>
#map1 = affine_map<(d0, d1) -> (0, 0, 0)>
module attributes {stable_mosaic.version = 14 : i64} {
  func.func @_embed_kernel(%arg0: i32, %arg1: i32, %arg2: memref<50x16384xi32, #tpu.memory_space<hbm>>, %arg3: memref<1000000x64xf32, #tpu.memory_space<hbm>>, %arg4: memref<50x16384x64xf32, #tpu.memory_space<hbm>>, %arg5: memref<50x512xi32, #tpu.memory_space<vmem>>, %arg6: memref<2x512x64xf32, #tpu.memory_space<vmem>>, %arg7: memref<2x!tpu.dma_semaphore, #tpu.memory_space<semaphore_mem>>, %arg8: memref<2x!tpu.dma_semaphore, #tpu.memory_space<semaphore_mem>>) attributes {dimension_semantics = [#tpu.dimension_semantics<core_parallel>, #tpu.dimension_semantics<subcore_parallel>], iteration_bounds = array<i64: 2, 16>, scalar_prefetch = 0 : i64, scratch_operands = 4 : i64, tpu.core_type = #tpu.core_type<sc_vector_subcore>, window_params = [{transform_indices = #map}, {transform_indices = #map}, {transform_indices = #map1}]} {
    %mul3A = arith.constant 2 : i32
    %mul3A_0 = arith.muli %arg1, %mul3A : i32
    %add3A = arith.addi %mul3A_0, %arg0 : i32
    %mul3A_1 = arith.constant 512 : i32
    %mul3A_2 = arith.muli %add3A, %mul3A_1 : i32
    %multiple_of3A = tpu.assume_multiple %mul3A_2, 128 : i32
    "tpu.region"() ({
      %run_scoped3A = tpu.sem_alloc : memref<!tpu.dma_semaphore, #tpu.memory_space<semaphore_mem>>
      %dma_start3A_127 = arith.constant 0 : i32
      %dma_start3A_128 = tpu.memref_slice %arg2[%dma_start3A_127, %multiple_of3A] : memref<50x16384xi32, #tpu.memory_space<hbm>> -> memref<50x512xi32, #tpu.memory_space<hbm>>
      %dma_start3A_129 = arith.constant 0 : i32
      %dma_start3A_130 = tpu.memref_slice %arg2[%dma_start3A_129, %multiple_of3A] : memref<50x16384xi32, #tpu.memory_space<hbm>> -> memref<50x512xi32, #tpu.memory_space<hbm>>
      tpu.enqueue_dma source(%dma_start3A_130 : memref<50x512xi32, #tpu.memory_space<hbm>>) target(%arg5 : memref<50x512xi32, #tpu.memory_space<vmem>>) target_semaphore(%run_scoped3A : memref<!tpu.dma_semaphore, #tpu.memory_space<semaphore_mem>>)
      %dma_wait3A = arith.constant 0 : i32
      %dma_wait3A_131 = tpu.memref_slice %arg2[%dma_wait3A, %multiple_of3A] : memref<50x16384xi32, #tpu.memory_space<hbm>> -> memref<50x512xi32, #tpu.memory_space<hbm>>
      %dma_wait3A_132 = arith.constant 0 : i32
      %dma_wait3A_133 = tpu.memref_slice %arg2[%dma_wait3A_132, %multiple_of3A] : memref<50x16384xi32, #tpu.memory_space<hbm>> -> memref<50x512xi32, #tpu.memory_space<hbm>>
      tpu.wait_dma2 semaphore(%run_scoped3A : memref<!tpu.dma_semaphore, #tpu.memory_space<semaphore_mem>>) src(%dma_wait3A_133 : memref<50x512xi32, #tpu.memory_space<hbm>>) dst(%arg5 : memref<50x512xi32, #tpu.memory_space<vmem>>)
      tpu.yield
    }) : () -> ()
    %dma_start3A = arith.constant 0 : i32
    %dma_start3A_3 = arith.constant 0 : i32
    %dma_start3A_4 = arith.constant 0 : i32
    %dma_start3A_5 = arith.constant 0 : i32
    %dma_start3A_6 = arith.constant 0 : i32
    %dma_start3A_7 = tpu.memref_slice %arg6[%dma_start3A_3, %dma_start3A_5, %dma_start3A_6] : memref<2x512x64xf32, #tpu.memory_space<vmem>> -> memref<1x128x64xf32, #tpu.memory_space<vmem>>
    %dma_start3A_8 = tpu.memref_squeeze %dma_start3A_7 : memref<1x128x64xf32, #tpu.memory_space<vmem>> -> memref<128x64xf32, #tpu.memory_space<vmem>>
    %dma_start3A_9 = arith.constant 0 : i32
    %dma_start3A_10 = tpu.memref_slice %arg5[%dma_start3A, %dma_start3A_9] : memref<50x512xi32, #tpu.memory_space<vmem>> -> memref<1x128xi32, #tpu.memory_space<vmem>>
    %dma_start3A_11 = tpu.memref_squeeze %dma_start3A_10 : memref<1x128xi32, #tpu.memory_space<vmem>> -> memref<128xi32, #tpu.memory_space<vmem>>
    %dma_start3A_12 = arith.constant 0 : i32
    %dma_start3A_13 = arith.constant 0 : i32
    %dma_start3A_14 = tpu.memref_slice %arg3[%dma_start3A_12, %dma_start3A_13] : memref<1000000x64xf32, #tpu.memory_space<hbm>> -> memref<1000000x64xf32, #tpu.memory_space<hbm>>
    %dma_start3A_15 = tpu.memref_slice %arg7[%dma_start3A_4] : memref<2x!tpu.dma_semaphore, #tpu.memory_space<semaphore_mem>> -> memref<1x!tpu.dma_semaphore, #tpu.memory_space<semaphore_mem>>
    %dma_start3A_16 = tpu.memref_squeeze %dma_start3A_15 : memref<1x!tpu.dma_semaphore, #tpu.memory_space<semaphore_mem>> -> memref<!tpu.dma_semaphore, #tpu.memory_space<semaphore_mem>>
    tpu.enqueue_indirect_dma source(%dma_start3A_14 : memref<1000000x64xf32, #tpu.memory_space<hbm>>) target(%dma_start3A_8 : memref<128x64xf32, #tpu.memory_space<vmem>>) offsets(%dma_start3A_11 : memref<128xi32, #tpu.memory_space<vmem>>) semaphore(%dma_start3A_16 : memref<!tpu.dma_semaphore, #tpu.memory_space<semaphore_mem>>)
    %dma_start3A_17 = arith.constant 0 : i32
    %dma_start3A_18 = arith.constant 0 : i32
    %dma_start3A_19 = arith.constant 0 : i32
    %dma_start3A_20 = arith.constant 128 : i32
    %dma_start3A_21 = arith.constant 0 : i32
    %dma_start3A_22 = tpu.memref_slice %arg6[%dma_start3A_18, %dma_start3A_20, %dma_start3A_21] : memref<2x512x64xf32, #tpu.memory_space<vmem>> -> memref<1x128x64xf32, #tpu.memory_space<vmem>>
    %dma_start3A_23 = tpu.memref_squeeze %dma_start3A_22 : memref<1x128x64xf32, #tpu.memory_space<vmem>> -> memref<128x64xf32, #tpu.memory_space<vmem>>
    %dma_start3A_24 = arith.constant 128 : i32
    %dma_start3A_25 = tpu.memref_slice %arg5[%dma_start3A_17, %dma_start3A_24] : memref<50x512xi32, #tpu.memory_space<vmem>> -> memref<1x128xi32, #tpu.memory_space<vmem>>
    %dma_start3A_26 = tpu.memref_squeeze %dma_start3A_25 : memref<1x128xi32, #tpu.memory_space<vmem>> -> memref<128xi32, #tpu.memory_space<vmem>>
    %dma_start3A_27 = arith.constant 0 : i32
    %dma_start3A_28 = arith.constant 0 : i32
    %dma_start3A_29 = tpu.memref_slice %arg3[%dma_start3A_27, %dma_start3A_28] : memref<1000000x64xf32, #tpu.memory_space<hbm>> -> memref<1000000x64xf32, #tpu.memory_space<hbm>>
    %dma_start3A_30 = tpu.memref_slice %arg7[%dma_start3A_19] : memref<2x!tpu.dma_semaphore, #tpu.memory_space<semaphore_mem>> -> memref<1x!tpu.dma_semaphore, #tpu.memory_space<semaphore_mem>>
    %dma_start3A_31 = tpu.memref_squeeze %dma_start3A_30 : memref<1x!tpu.dma_semaphore, #tpu.memory_space<semaphore_mem>> -> memref<!tpu.dma_semaphore, #tpu.memory_space<semaphore_mem>>
    tpu.enqueue_indirect_dma source(%dma_start3A_29 : memref<1000000x64xf32, #tpu.memory_space<hbm>>) target(%dma_start3A_23 : memref<128x64xf32, #tpu.memory_space<vmem>>) offsets(%dma_start3A_26 : memref<128xi32, #tpu.memory_space<vmem>>) semaphore(%dma_start3A_31 : memref<!tpu.dma_semaphore, #tpu.memory_space<semaphore_mem>>)
    %dma_start3A_32 = arith.constant 0 : i32
    %dma_start3A_33 = arith.constant 0 : i32
    %dma_start3A_34 = arith.constant 0 : i32
    %dma_start3A_35 = arith.constant 256 : i32
    %dma_start3A_36 = arith.constant 0 : i32
    %dma_start3A_37 = tpu.memref_slice %arg6[%dma_start3A_33, %dma_start3A_35, %dma_start3A_36] : memref<2x512x64xf32, #tpu.memory_space<vmem>> -> memref<1x128x64xf32, #tpu.memory_space<vmem>>
    %dma_start3A_38 = tpu.memref_squeeze %dma_start3A_37 : memref<1x128x64xf32, #tpu.memory_space<vmem>> -> memref<128x64xf32, #tpu.memory_space<vmem>>
    %dma_start3A_39 = arith.constant 256 : i32
    %dma_start3A_40 = tpu.memref_slice %arg5[%dma_start3A_32, %dma_start3A_39] : memref<50x512xi32, #tpu.memory_space<vmem>> -> memref<1x128xi32, #tpu.memory_space<vmem>>
    %dma_start3A_41 = tpu.memref_squeeze %dma_start3A_40 : memref<1x128xi32, #tpu.memory_space<vmem>> -> memref<128xi32, #tpu.memory_space<vmem>>
    %dma_start3A_42 = arith.constant 0 : i32
    %dma_start3A_43 = arith.constant 0 : i32
    %dma_start3A_44 = tpu.memref_slice %arg3[%dma_start3A_42, %dma_start3A_43] : memref<1000000x64xf32, #tpu.memory_space<hbm>> -> memref<1000000x64xf32, #tpu.memory_space<hbm>>
    %dma_start3A_45 = tpu.memref_slice %arg7[%dma_start3A_34] : memref<2x!tpu.dma_semaphore, #tpu.memory_space<semaphore_mem>> -> memref<1x!tpu.dma_semaphore, #tpu.memory_space<semaphore_mem>>
    %dma_start3A_46 = tpu.memref_squeeze %dma_start3A_45 : memref<1x!tpu.dma_semaphore, #tpu.memory_space<semaphore_mem>> -> memref<!tpu.dma_semaphore, #tpu.memory_space<semaphore_mem>>
    tpu.enqueue_indirect_dma source(%dma_start3A_44 : memref<1000000x64xf32, #tpu.memory_space<hbm>>) target(%dma_start3A_38 : memref<128x64xf32, #tpu.memory_space<vmem>>) offsets(%dma_start3A_41 : memref<128xi32, #tpu.memory_space<vmem>>) semaphore(%dma_start3A_46 : memref<!tpu.dma_semaphore, #tpu.memory_space<semaphore_mem>>)
    %dma_start3A_47 = arith.constant 0 : i32
    %dma_start3A_48 = arith.constant 0 : i32
    %dma_start3A_49 = arith.constant 0 : i32
    %dma_start3A_50 = arith.constant 384 : i32
    %dma_start3A_51 = arith.constant 0 : i32
    %dma_start3A_52 = tpu.memref_slice %arg6[%dma_start3A_48, %dma_start3A_50, %dma_start3A_51] : memref<2x512x64xf32, #tpu.memory_space<vmem>> -> memref<1x128x64xf32, #tpu.memory_space<vmem>>
    %dma_start3A_53 = tpu.memref_squeeze %dma_start3A_52 : memref<1x128x64xf32, #tpu.memory_space<vmem>> -> memref<128x64xf32, #tpu.memory_space<vmem>>
    %dma_start3A_54 = arith.constant 384 : i32
    %dma_start3A_55 = tpu.memref_slice %arg5[%dma_start3A_47, %dma_start3A_54] : memref<50x512xi32, #tpu.memory_space<vmem>> -> memref<1x128xi32, #tpu.memory_space<vmem>>
    %dma_start3A_56 = tpu.memref_squeeze %dma_start3A_55 : memref<1x128xi32, #tpu.memory_space<vmem>> -> memref<128xi32, #tpu.memory_space<vmem>>
    %dma_start3A_57 = arith.constant 0 : i32
    %dma_start3A_58 = arith.constant 0 : i32
    %dma_start3A_59 = tpu.memref_slice %arg3[%dma_start3A_57, %dma_start3A_58] : memref<1000000x64xf32, #tpu.memory_space<hbm>> -> memref<1000000x64xf32, #tpu.memory_space<hbm>>
    %dma_start3A_60 = tpu.memref_slice %arg7[%dma_start3A_49] : memref<2x!tpu.dma_semaphore, #tpu.memory_space<semaphore_mem>> -> memref<1x!tpu.dma_semaphore, #tpu.memory_space<semaphore_mem>>
    %dma_start3A_61 = tpu.memref_squeeze %dma_start3A_60 : memref<1x!tpu.dma_semaphore, #tpu.memory_space<semaphore_mem>> -> memref<!tpu.dma_semaphore, #tpu.memory_space<semaphore_mem>>
    tpu.enqueue_indirect_dma source(%dma_start3A_59 : memref<1000000x64xf32, #tpu.memory_space<hbm>>) target(%dma_start3A_53 : memref<128x64xf32, #tpu.memory_space<vmem>>) offsets(%dma_start3A_56 : memref<128xi32, #tpu.memory_space<vmem>>) semaphore(%dma_start3A_61 : memref<!tpu.dma_semaphore, #tpu.memory_space<semaphore_mem>>)
    %dma_start3A_62 = arith.constant 1 : i32
    %dma_start3A_63 = arith.constant 1 : i32
    %dma_start3A_64 = arith.constant 1 : i32
    %dma_start3A_65 = arith.constant 0 : i32
    %dma_start3A_66 = arith.constant 0 : i32
    %dma_start3A_67 = tpu.memref_slice %arg6[%dma_start3A_63, %dma_start3A_65, %dma_start3A_66] : memref<2x512x64xf32, #tpu.memory_space<vmem>> -> memref<1x128x64xf32, #tpu.memory_space<vmem>>
    %dma_start3A_68 = tpu.memref_squeeze %dma_start3A_67 : memref<1x128x64xf32, #tpu.memory_space<vmem>> -> memref<128x64xf32, #tpu.memory_space<vmem>>
    %dma_start3A_69 = arith.constant 0 : i32
    %dma_start3A_70 = tpu.memref_slice %arg5[%dma_start3A_62, %dma_start3A_69] : memref<50x512xi32, #tpu.memory_space<vmem>> -> memref<1x128xi32, #tpu.memory_space<vmem>>
    %dma_start3A_71 = tpu.memref_squeeze %dma_start3A_70 : memref<1x128xi32, #tpu.memory_space<vmem>> -> memref<128xi32, #tpu.memory_space<vmem>>
    %dma_start3A_72 = arith.constant 0 : i32
    %dma_start3A_73 = arith.constant 0 : i32
    %dma_start3A_74 = tpu.memref_slice %arg3[%dma_start3A_72, %dma_start3A_73] : memref<1000000x64xf32, #tpu.memory_space<hbm>> -> memref<1000000x64xf32, #tpu.memory_space<hbm>>
    %dma_start3A_75 = tpu.memref_slice %arg7[%dma_start3A_64] : memref<2x!tpu.dma_semaphore, #tpu.memory_space<semaphore_mem>> -> memref<1x!tpu.dma_semaphore, #tpu.memory_space<semaphore_mem>>
    %dma_start3A_76 = tpu.memref_squeeze %dma_start3A_75 : memref<1x!tpu.dma_semaphore, #tpu.memory_space<semaphore_mem>> -> memref<!tpu.dma_semaphore, #tpu.memory_space<semaphore_mem>>
    tpu.enqueue_indirect_dma source(%dma_start3A_74 : memref<1000000x64xf32, #tpu.memory_space<hbm>>) target(%dma_start3A_68 : memref<128x64xf32, #tpu.memory_space<vmem>>) offsets(%dma_start3A_71 : memref<128xi32, #tpu.memory_space<vmem>>) semaphore(%dma_start3A_76 : memref<!tpu.dma_semaphore, #tpu.memory_space<semaphore_mem>>)
    %dma_start3A_77 = arith.constant 1 : i32
    %dma_start3A_78 = arith.constant 1 : i32
    %dma_start3A_79 = arith.constant 1 : i32
    %dma_start3A_80 = arith.constant 128 : i32
    %dma_start3A_81 = arith.constant 0 : i32
    %dma_start3A_82 = tpu.memref_slice %arg6[%dma_start3A_78, %dma_start3A_80, %dma_start3A_81] : memref<2x512x64xf32, #tpu.memory_space<vmem>> -> memref<1x128x64xf32, #tpu.memory_space<vmem>>
    %dma_start3A_83 = tpu.memref_squeeze %dma_start3A_82 : memref<1x128x64xf32, #tpu.memory_space<vmem>> -> memref<128x64xf32, #tpu.memory_space<vmem>>
    %dma_start3A_84 = arith.constant 128 : i32
    %dma_start3A_85 = tpu.memref_slice %arg5[%dma_start3A_77, %dma_start3A_84] : memref<50x512xi32, #tpu.memory_space<vmem>> -> memref<1x128xi32, #tpu.memory_space<vmem>>
    %dma_start3A_86 = tpu.memref_squeeze %dma_start3A_85 : memref<1x128xi32, #tpu.memory_space<vmem>> -> memref<128xi32, #tpu.memory_space<vmem>>
    %dma_start3A_87 = arith.constant 0 : i32
    %dma_start3A_88 = arith.constant 0 : i32
    %dma_start3A_89 = tpu.memref_slice %arg3[%dma_start3A_87, %dma_start3A_88] : memref<1000000x64xf32, #tpu.memory_space<hbm>> -> memref<1000000x64xf32, #tpu.memory_space<hbm>>
    %dma_start3A_90 = tpu.memref_slice %arg7[%dma_start3A_79] : memref<2x!tpu.dma_semaphore, #tpu.memory_space<semaphore_mem>> -> memref<1x!tpu.dma_semaphore, #tpu.memory_space<semaphore_mem>>
    %dma_start3A_91 = tpu.memref_squeeze %dma_start3A_90 : memref<1x!tpu.dma_semaphore, #tpu.memory_space<semaphore_mem>> -> memref<!tpu.dma_semaphore, #tpu.memory_space<semaphore_mem>>
    tpu.enqueue_indirect_dma source(%dma_start3A_89 : memref<1000000x64xf32, #tpu.memory_space<hbm>>) target(%dma_start3A_83 : memref<128x64xf32, #tpu.memory_space<vmem>>) offsets(%dma_start3A_86 : memref<128xi32, #tpu.memory_space<vmem>>) semaphore(%dma_start3A_91 : memref<!tpu.dma_semaphore, #tpu.memory_space<semaphore_mem>>)
    %dma_start3A_92 = arith.constant 1 : i32
    %dma_start3A_93 = arith.constant 1 : i32
    %dma_start3A_94 = arith.constant 1 : i32
    %dma_start3A_95 = arith.constant 256 : i32
    %dma_start3A_96 = arith.constant 0 : i32
    %dma_start3A_97 = tpu.memref_slice %arg6[%dma_start3A_93, %dma_start3A_95, %dma_start3A_96] : memref<2x512x64xf32, #tpu.memory_space<vmem>> -> memref<1x128x64xf32, #tpu.memory_space<vmem>>
    %dma_start3A_98 = tpu.memref_squeeze %dma_start3A_97 : memref<1x128x64xf32, #tpu.memory_space<vmem>> -> memref<128x64xf32, #tpu.memory_space<vmem>>
    %dma_start3A_99 = arith.constant 256 : i32
    %dma_start3A_100 = tpu.memref_slice %arg5[%dma_start3A_92, %dma_start3A_99] : memref<50x512xi32, #tpu.memory_space<vmem>> -> memref<1x128xi32, #tpu.memory_space<vmem>>
    %dma_start3A_101 = tpu.memref_squeeze %dma_start3A_100 : memref<1x128xi32, #tpu.memory_space<vmem>> -> memref<128xi32, #tpu.memory_space<vmem>>
    %dma_start3A_102 = arith.constant 0 : i32
    %dma_start3A_103 = arith.constant 0 : i32
    %dma_start3A_104 = tpu.memref_slice %arg3[%dma_start3A_102, %dma_start3A_103] : memref<1000000x64xf32, #tpu.memory_space<hbm>> -> memref<1000000x64xf32, #tpu.memory_space<hbm>>
    %dma_start3A_105 = tpu.memref_slice %arg7[%dma_start3A_94] : memref<2x!tpu.dma_semaphore, #tpu.memory_space<semaphore_mem>> -> memref<1x!tpu.dma_semaphore, #tpu.memory_space<semaphore_mem>>
    %dma_start3A_106 = tpu.memref_squeeze %dma_start3A_105 : memref<1x!tpu.dma_semaphore, #tpu.memory_space<semaphore_mem>> -> memref<!tpu.dma_semaphore, #tpu.memory_space<semaphore_mem>>
    tpu.enqueue_indirect_dma source(%dma_start3A_104 : memref<1000000x64xf32, #tpu.memory_space<hbm>>) target(%dma_start3A_98 : memref<128x64xf32, #tpu.memory_space<vmem>>) offsets(%dma_start3A_101 : memref<128xi32, #tpu.memory_space<vmem>>) semaphore(%dma_start3A_106 : memref<!tpu.dma_semaphore, #tpu.memory_space<semaphore_mem>>)
    %dma_start3A_107 = arith.constant 1 : i32
    %dma_start3A_108 = arith.constant 1 : i32
    %dma_start3A_109 = arith.constant 1 : i32
    %dma_start3A_110 = arith.constant 384 : i32
    %dma_start3A_111 = arith.constant 0 : i32
    %dma_start3A_112 = tpu.memref_slice %arg6[%dma_start3A_108, %dma_start3A_110, %dma_start3A_111] : memref<2x512x64xf32, #tpu.memory_space<vmem>> -> memref<1x128x64xf32, #tpu.memory_space<vmem>>
    %dma_start3A_113 = tpu.memref_squeeze %dma_start3A_112 : memref<1x128x64xf32, #tpu.memory_space<vmem>> -> memref<128x64xf32, #tpu.memory_space<vmem>>
    %dma_start3A_114 = arith.constant 384 : i32
    %dma_start3A_115 = tpu.memref_slice %arg5[%dma_start3A_107, %dma_start3A_114] : memref<50x512xi32, #tpu.memory_space<vmem>> -> memref<1x128xi32, #tpu.memory_space<vmem>>
    %dma_start3A_116 = tpu.memref_squeeze %dma_start3A_115 : memref<1x128xi32, #tpu.memory_space<vmem>> -> memref<128xi32, #tpu.memory_space<vmem>>
    %dma_start3A_117 = arith.constant 0 : i32
    %dma_start3A_118 = arith.constant 0 : i32
    %dma_start3A_119 = tpu.memref_slice %arg3[%dma_start3A_117, %dma_start3A_118] : memref<1000000x64xf32, #tpu.memory_space<hbm>> -> memref<1000000x64xf32, #tpu.memory_space<hbm>>
    %dma_start3A_120 = tpu.memref_slice %arg7[%dma_start3A_109] : memref<2x!tpu.dma_semaphore, #tpu.memory_space<semaphore_mem>> -> memref<1x!tpu.dma_semaphore, #tpu.memory_space<semaphore_mem>>
    %dma_start3A_121 = tpu.memref_squeeze %dma_start3A_120 : memref<1x!tpu.dma_semaphore, #tpu.memory_space<semaphore_mem>> -> memref<!tpu.dma_semaphore, #tpu.memory_space<semaphore_mem>>
    tpu.enqueue_indirect_dma source(%dma_start3A_119 : memref<1000000x64xf32, #tpu.memory_space<hbm>>) target(%dma_start3A_113 : memref<128x64xf32, #tpu.memory_space<vmem>>) offsets(%dma_start3A_116 : memref<128xi32, #tpu.memory_space<vmem>>) semaphore(%dma_start3A_121 : memref<!tpu.dma_semaphore, #tpu.memory_space<semaphore_mem>>)
    %scan3A = arith.constant 0 : i32
    %scan3A_122 = arith.constant 0 : i32
    %scan3A_123 = arith.constant 25 : i32
    %scan3A_124 = arith.addi %scan3A_122, %scan3A_123 : i32
    %scan3A_125 = arith.constant 1 : i32
    scf.for %scan3A_127 = %scan3A_122 to %scan3A_124 step %scan3A_125  : i32 {
      %mul3A_128 = arith.constant 2 : i32
      %mul3A_129 = arith.muli %scan3A_127, %mul3A_128 : i32
      %add3A_130 = arith.constant 0 : i32
      %add3A_131 = arith.addi %mul3A_129, %add3A_130 : i32
      %dma_wait3A = arith.constant 0 : i32
      %dma_wait3A_132 = arith.constant 0 : i32
      %dma_wait3A_133 = arith.constant 0 : i32
      %dma_wait3A_134 = arith.constant 0 : i32
      %dma_wait3A_135 = tpu.memref_slice %arg6[%dma_wait3A, %dma_wait3A_133, %dma_wait3A_134] : memref<2x512x64xf32, #tpu.memory_space<vmem>> -> memref<1x128x64xf32, #tpu.memory_space<vmem>>
      %dma_wait3A_136 = tpu.memref_squeeze %dma_wait3A_135 : memref<1x128x64xf32, #tpu.memory_space<vmem>> -> memref<128x64xf32, #tpu.memory_space<vmem>>
      %dma_wait3A_137 = arith.constant 0 : i32
      %dma_wait3A_138 = tpu.memref_slice %arg5[%add3A_131, %dma_wait3A_137] : memref<50x512xi32, #tpu.memory_space<vmem>> -> memref<1x128xi32, #tpu.memory_space<vmem>>
      %dma_wait3A_139 = tpu.memref_squeeze %dma_wait3A_138 : memref<1x128xi32, #tpu.memory_space<vmem>> -> memref<128xi32, #tpu.memory_space<vmem>>
      %dma_wait3A_140 = arith.constant 0 : i32
      %dma_wait3A_141 = arith.constant 0 : i32
      %dma_wait3A_142 = tpu.memref_slice %arg3[%dma_wait3A_140, %dma_wait3A_141] : memref<1000000x64xf32, #tpu.memory_space<hbm>> -> memref<1000000x64xf32, #tpu.memory_space<hbm>>
      %dma_wait3A_143 = tpu.memref_slice %arg7[%dma_wait3A_132] : memref<2x!tpu.dma_semaphore, #tpu.memory_space<semaphore_mem>> -> memref<1x!tpu.dma_semaphore, #tpu.memory_space<semaphore_mem>>
      %dma_wait3A_144 = tpu.memref_squeeze %dma_wait3A_143 : memref<1x!tpu.dma_semaphore, #tpu.memory_space<semaphore_mem>> -> memref<!tpu.dma_semaphore, #tpu.memory_space<semaphore_mem>>
      tpu.wait_indirect_dma semaphore(%dma_wait3A_144 : memref<!tpu.dma_semaphore, #tpu.memory_space<semaphore_mem>>) src(%dma_wait3A_142 : memref<1000000x64xf32, #tpu.memory_space<hbm>>) dst(%dma_wait3A_136 : memref<128x64xf32, #tpu.memory_space<vmem>>)
      %dma_wait3A_145 = arith.constant 0 : i32
      %dma_wait3A_146 = arith.constant 0 : i32
      %dma_wait3A_147 = arith.constant 128 : i32
      %dma_wait3A_148 = arith.constant 0 : i32
      %dma_wait3A_149 = tpu.memref_slice %arg6[%dma_wait3A_145, %dma_wait3A_147, %dma_wait3A_148] : memref<2x512x64xf32, #tpu.memory_space<vmem>> -> memref<1x128x64xf32, #tpu.memory_space<vmem>>
      %dma_wait3A_150 = tpu.memref_squeeze %dma_wait3A_149 : memref<1x128x64xf32, #tpu.memory_space<vmem>> -> memref<128x64xf32, #tpu.memory_space<vmem>>
      %dma_wait3A_151 = arith.constant 128 : i32
      %dma_wait3A_152 = tpu.memref_slice %arg5[%add3A_131, %dma_wait3A_151] : memref<50x512xi32, #tpu.memory_space<vmem>> -> memref<1x128xi32, #tpu.memory_space<vmem>>
      %dma_wait3A_153 = tpu.memref_squeeze %dma_wait3A_152 : memref<1x128xi32, #tpu.memory_space<vmem>> -> memref<128xi32, #tpu.memory_space<vmem>>
      %dma_wait3A_154 = arith.constant 0 : i32
      %dma_wait3A_155 = arith.constant 0 : i32
      %dma_wait3A_156 = tpu.memref_slice %arg3[%dma_wait3A_154, %dma_wait3A_155] : memref<1000000x64xf32, #tpu.memory_space<hbm>> -> memref<1000000x64xf32, #tpu.memory_space<hbm>>
      %dma_wait3A_157 = tpu.memref_slice %arg7[%dma_wait3A_146] : memref<2x!tpu.dma_semaphore, #tpu.memory_space<semaphore_mem>> -> memref<1x!tpu.dma_semaphore, #tpu.memory_space<semaphore_mem>>
      %dma_wait3A_158 = tpu.memref_squeeze %dma_wait3A_157 : memref<1x!tpu.dma_semaphore, #tpu.memory_space<semaphore_mem>> -> memref<!tpu.dma_semaphore, #tpu.memory_space<semaphore_mem>>
      tpu.wait_indirect_dma semaphore(%dma_wait3A_158 : memref<!tpu.dma_semaphore, #tpu.memory_space<semaphore_mem>>) src(%dma_wait3A_156 : memref<1000000x64xf32, #tpu.memory_space<hbm>>) dst(%dma_wait3A_150 : memref<128x64xf32, #tpu.memory_space<vmem>>)
      %dma_wait3A_159 = arith.constant 0 : i32
      %dma_wait3A_160 = arith.constant 0 : i32
      %dma_wait3A_161 = arith.constant 256 : i32
      %dma_wait3A_162 = arith.constant 0 : i32
      %dma_wait3A_163 = tpu.memref_slice %arg6[%dma_wait3A_159, %dma_wait3A_161, %dma_wait3A_162] : memref<2x512x64xf32, #tpu.memory_space<vmem>> -> memref<1x128x64xf32, #tpu.memory_space<vmem>>
      %dma_wait3A_164 = tpu.memref_squeeze %dma_wait3A_163 : memref<1x128x64xf32, #tpu.memory_space<vmem>> -> memref<128x64xf32, #tpu.memory_space<vmem>>
      %dma_wait3A_165 = arith.constant 256 : i32
      %dma_wait3A_166 = tpu.memref_slice %arg5[%add3A_131, %dma_wait3A_165] : memref<50x512xi32, #tpu.memory_space<vmem>> -> memref<1x128xi32, #tpu.memory_space<vmem>>
      %dma_wait3A_167 = tpu.memref_squeeze %dma_wait3A_166 : memref<1x128xi32, #tpu.memory_space<vmem>> -> memref<128xi32, #tpu.memory_space<vmem>>
      %dma_wait3A_168 = arith.constant 0 : i32
      %dma_wait3A_169 = arith.constant 0 : i32
      %dma_wait3A_170 = tpu.memref_slice %arg3[%dma_wait3A_168, %dma_wait3A_169] : memref<1000000x64xf32, #tpu.memory_space<hbm>> -> memref<1000000x64xf32, #tpu.memory_space<hbm>>
      %dma_wait3A_171 = tpu.memref_slice %arg7[%dma_wait3A_160] : memref<2x!tpu.dma_semaphore, #tpu.memory_space<semaphore_mem>> -> memref<1x!tpu.dma_semaphore, #tpu.memory_space<semaphore_mem>>
      %dma_wait3A_172 = tpu.memref_squeeze %dma_wait3A_171 : memref<1x!tpu.dma_semaphore, #tpu.memory_space<semaphore_mem>> -> memref<!tpu.dma_semaphore, #tpu.memory_space<semaphore_mem>>
      tpu.wait_indirect_dma semaphore(%dma_wait3A_172 : memref<!tpu.dma_semaphore, #tpu.memory_space<semaphore_mem>>) src(%dma_wait3A_170 : memref<1000000x64xf32, #tpu.memory_space<hbm>>) dst(%dma_wait3A_164 : memref<128x64xf32, #tpu.memory_space<vmem>>)
      %dma_wait3A_173 = arith.constant 0 : i32
      %dma_wait3A_174 = arith.constant 0 : i32
      %dma_wait3A_175 = arith.constant 384 : i32
      %dma_wait3A_176 = arith.constant 0 : i32
      %dma_wait3A_177 = tpu.memref_slice %arg6[%dma_wait3A_173, %dma_wait3A_175, %dma_wait3A_176] : memref<2x512x64xf32, #tpu.memory_space<vmem>> -> memref<1x128x64xf32, #tpu.memory_space<vmem>>
      %dma_wait3A_178 = tpu.memref_squeeze %dma_wait3A_177 : memref<1x128x64xf32, #tpu.memory_space<vmem>> -> memref<128x64xf32, #tpu.memory_space<vmem>>
      %dma_wait3A_179 = arith.constant 384 : i32
      %dma_wait3A_180 = tpu.memref_slice %arg5[%add3A_131, %dma_wait3A_179] : memref<50x512xi32, #tpu.memory_space<vmem>> -> memref<1x128xi32, #tpu.memory_space<vmem>>
      %dma_wait3A_181 = tpu.memref_squeeze %dma_wait3A_180 : memref<1x128xi32, #tpu.memory_space<vmem>> -> memref<128xi32, #tpu.memory_space<vmem>>
      %dma_wait3A_182 = arith.constant 0 : i32
      %dma_wait3A_183 = arith.constant 0 : i32
      %dma_wait3A_184 = tpu.memref_slice %arg3[%dma_wait3A_182, %dma_wait3A_183] : memref<1000000x64xf32, #tpu.memory_space<hbm>> -> memref<1000000x64xf32, #tpu.memory_space<hbm>>
      %dma_wait3A_185 = tpu.memref_slice %arg7[%dma_wait3A_174] : memref<2x!tpu.dma_semaphore, #tpu.memory_space<semaphore_mem>> -> memref<1x!tpu.dma_semaphore, #tpu.memory_space<semaphore_mem>>
      %dma_wait3A_186 = tpu.memref_squeeze %dma_wait3A_185 : memref<1x!tpu.dma_semaphore, #tpu.memory_space<semaphore_mem>> -> memref<!tpu.dma_semaphore, #tpu.memory_space<semaphore_mem>>
      tpu.wait_indirect_dma semaphore(%dma_wait3A_186 : memref<!tpu.dma_semaphore, #tpu.memory_space<semaphore_mem>>) src(%dma_wait3A_184 : memref<1000000x64xf32, #tpu.memory_space<hbm>>) dst(%dma_wait3A_178 : memref<128x64xf32, #tpu.memory_space<vmem>>)
      %dma_start3A_187 = arith.constant 0 : i32
      %dma_start3A_188 = arith.constant 0 : i32
      %dma_start3A_189 = arith.constant 0 : i32
      %dma_start3A_190 = arith.constant 0 : i32
      %dma_start3A_191 = tpu.memref_slice %arg6[%dma_start3A_187, %dma_start3A_189, %dma_start3A_190] : memref<2x512x64xf32, #tpu.memory_space<vmem>> -> memref<1x512x64xf32, #tpu.memory_space<vmem>>
      %dma_start3A_192 = tpu.memref_squeeze %dma_start3A_191 : memref<1x512x64xf32, #tpu.memory_space<vmem>> -> memref<512x64xf32, #tpu.memory_space<vmem>>
      %dma_start3A_193 = arith.constant 0 : i32
      %dma_start3A_194 = tpu.memref_slice %arg4[%add3A_131, %multiple_of3A, %dma_start3A_193] : memref<50x16384x64xf32, #tpu.memory_space<hbm>> -> memref<1x512x64xf32, #tpu.memory_space<hbm>>
      %dma_start3A_195 = tpu.memref_squeeze %dma_start3A_194 : memref<1x512x64xf32, #tpu.memory_space<hbm>> -> memref<512x64xf32, #tpu.memory_space<hbm>>
      %dma_start3A_196 = tpu.memref_slice %arg8[%dma_start3A_188] : memref<2x!tpu.dma_semaphore, #tpu.memory_space<semaphore_mem>> -> memref<1x!tpu.dma_semaphore, #tpu.memory_space<semaphore_mem>>
      %dma_start3A_197 = tpu.memref_squeeze %dma_start3A_196 : memref<1x!tpu.dma_semaphore, #tpu.memory_space<semaphore_mem>> -> memref<!tpu.dma_semaphore, #tpu.memory_space<semaphore_mem>>
      %dma_start3A_198 = arith.constant 0 : i32
      %dma_start3A_199 = tpu.memref_slice %arg4[%add3A_131, %multiple_of3A, %dma_start3A_198] : memref<50x16384x64xf32, #tpu.memory_space<hbm>> -> memref<1x512x64xf32, #tpu.memory_space<hbm>>
      %dma_start3A_200 = tpu.memref_squeeze %dma_start3A_199 : memref<1x512x64xf32, #tpu.memory_space<hbm>> -> memref<512x64xf32, #tpu.memory_space<hbm>>
      %dma_start3A_201 = arith.constant 0 : i32
      %dma_start3A_202 = arith.constant 0 : i32
      %dma_start3A_203 = tpu.memref_slice %arg6[%dma_start3A_187, %dma_start3A_201, %dma_start3A_202] : memref<2x512x64xf32, #tpu.memory_space<vmem>> -> memref<1x512x64xf32, #tpu.memory_space<vmem>>
      %dma_start3A_204 = tpu.memref_squeeze %dma_start3A_203 : memref<1x512x64xf32, #tpu.memory_space<vmem>> -> memref<512x64xf32, #tpu.memory_space<vmem>>
      tpu.enqueue_dma source(%dma_start3A_204 : memref<512x64xf32, #tpu.memory_space<vmem>>) target(%dma_start3A_200 : memref<512x64xf32, #tpu.memory_space<hbm>>) target_semaphore(%dma_start3A_197 : memref<!tpu.dma_semaphore, #tpu.memory_space<semaphore_mem>>)
      %dma_wait3A_205 = arith.constant 0 : i32
      %dma_wait3A_206 = arith.constant 0 : i32
      %dma_wait3A_207 = arith.constant 0 : i32
      %dma_wait3A_208 = arith.constant 0 : i32
      %dma_wait3A_209 = tpu.memref_slice %arg6[%dma_wait3A_205, %dma_wait3A_207, %dma_wait3A_208] : memref<2x512x64xf32, #tpu.memory_space<vmem>> -> memref<1x512x64xf32, #tpu.memory_space<vmem>>
      %dma_wait3A_210 = tpu.memref_squeeze %dma_wait3A_209 : memref<1x512x64xf32, #tpu.memory_space<vmem>> -> memref<512x64xf32, #tpu.memory_space<vmem>>
      %dma_wait3A_211 = arith.constant 0 : i32
      %dma_wait3A_212 = tpu.memref_slice %arg4[%add3A_131, %multiple_of3A, %dma_wait3A_211] : memref<50x16384x64xf32, #tpu.memory_space<hbm>> -> memref<1x512x64xf32, #tpu.memory_space<hbm>>
      %dma_wait3A_213 = tpu.memref_squeeze %dma_wait3A_212 : memref<1x512x64xf32, #tpu.memory_space<hbm>> -> memref<512x64xf32, #tpu.memory_space<hbm>>
      %dma_wait3A_214 = tpu.memref_slice %arg8[%dma_wait3A_206] : memref<2x!tpu.dma_semaphore, #tpu.memory_space<semaphore_mem>> -> memref<1x!tpu.dma_semaphore, #tpu.memory_space<semaphore_mem>>
      %dma_wait3A_215 = tpu.memref_squeeze %dma_wait3A_214 : memref<1x!tpu.dma_semaphore, #tpu.memory_space<semaphore_mem>> -> memref<!tpu.dma_semaphore, #tpu.memory_space<semaphore_mem>>
      %dma_wait3A_216 = arith.constant 0 : i32
      %dma_wait3A_217 = tpu.memref_slice %arg4[%add3A_131, %multiple_of3A, %dma_wait3A_216] : memref<50x16384x64xf32, #tpu.memory_space<hbm>> -> memref<1x512x64xf32, #tpu.memory_space<hbm>>
      %dma_wait3A_218 = tpu.memref_squeeze %dma_wait3A_217 : memref<1x512x64xf32, #tpu.memory_space<hbm>> -> memref<512x64xf32, #tpu.memory_space<hbm>>
      %dma_wait3A_219 = arith.constant 0 : i32
      %dma_wait3A_220 = arith.constant 0 : i32
      %dma_wait3A_221 = tpu.memref_slice %arg6[%dma_wait3A_205, %dma_wait3A_219, %dma_wait3A_220] : memref<2x512x64xf32, #tpu.memory_space<vmem>> -> memref<1x512x64xf32, #tpu.memory_space<vmem>>
      %dma_wait3A_222 = tpu.memref_squeeze %dma_wait3A_221 : memref<1x512x64xf32, #tpu.memory_space<vmem>> -> memref<512x64xf32, #tpu.memory_space<vmem>>
      tpu.wait_dma2 semaphore(%dma_wait3A_215 : memref<!tpu.dma_semaphore, #tpu.memory_space<semaphore_mem>>) src(%dma_wait3A_222 : memref<512x64xf32, #tpu.memory_space<vmem>>) dst(%dma_wait3A_218 : memref<512x64xf32, #tpu.memory_space<hbm>>)
      %add3A_223 = arith.constant 2 : i32
      %add3A_224 = arith.addi %add3A_131, %add3A_223 : i32
      %lt3A = arith.constant 50 : i32
      %lt3A_225 = arith.cmpi slt, %add3A_224, %lt3A : i32
      %convert_element_type3A = arith.extui %lt3A_225 : i1 to i32
      %cond3A = arith.constant 0 : i32
      %cond3A_226 = arith.cmpi ne, %convert_element_type3A, %cond3A : i32
      scf.if %cond3A_226 {
        %add3A_330 = arith.constant 2 : i32
        %add3A_331 = arith.addi %add3A_131, %add3A_330 : i32
        %dma_start3A_332 = arith.constant 0 : i32
        %dma_start3A_333 = arith.constant 0 : i32
        %dma_start3A_334 = arith.constant 0 : i32
        %dma_start3A_335 = arith.constant 0 : i32
        %dma_start3A_336 = tpu.memref_slice %arg6[%dma_start3A_332, %dma_start3A_334, %dma_start3A_335] : memref<2x512x64xf32, #tpu.memory_space<vmem>> -> memref<1x128x64xf32, #tpu.memory_space<vmem>>
        %dma_start3A_337 = tpu.memref_squeeze %dma_start3A_336 : memref<1x128x64xf32, #tpu.memory_space<vmem>> -> memref<128x64xf32, #tpu.memory_space<vmem>>
        %dma_start3A_338 = arith.constant 0 : i32
        %dma_start3A_339 = tpu.memref_slice %arg5[%add3A_331, %dma_start3A_338] : memref<50x512xi32, #tpu.memory_space<vmem>> -> memref<1x128xi32, #tpu.memory_space<vmem>>
        %dma_start3A_340 = tpu.memref_squeeze %dma_start3A_339 : memref<1x128xi32, #tpu.memory_space<vmem>> -> memref<128xi32, #tpu.memory_space<vmem>>
        %dma_start3A_341 = arith.constant 0 : i32
        %dma_start3A_342 = arith.constant 0 : i32
        %dma_start3A_343 = tpu.memref_slice %arg3[%dma_start3A_341, %dma_start3A_342] : memref<1000000x64xf32, #tpu.memory_space<hbm>> -> memref<1000000x64xf32, #tpu.memory_space<hbm>>
        %dma_start3A_344 = tpu.memref_slice %arg7[%dma_start3A_333] : memref<2x!tpu.dma_semaphore, #tpu.memory_space<semaphore_mem>> -> memref<1x!tpu.dma_semaphore, #tpu.memory_space<semaphore_mem>>
        %dma_start3A_345 = tpu.memref_squeeze %dma_start3A_344 : memref<1x!tpu.dma_semaphore, #tpu.memory_space<semaphore_mem>> -> memref<!tpu.dma_semaphore, #tpu.memory_space<semaphore_mem>>
        tpu.enqueue_indirect_dma source(%dma_start3A_343 : memref<1000000x64xf32, #tpu.memory_space<hbm>>) target(%dma_start3A_337 : memref<128x64xf32, #tpu.memory_space<vmem>>) offsets(%dma_start3A_340 : memref<128xi32, #tpu.memory_space<vmem>>) semaphore(%dma_start3A_345 : memref<!tpu.dma_semaphore, #tpu.memory_space<semaphore_mem>>)
        %dma_start3A_346 = arith.constant 0 : i32
        %dma_start3A_347 = arith.constant 0 : i32
        %dma_start3A_348 = arith.constant 128 : i32
        %dma_start3A_349 = arith.constant 0 : i32
        %dma_start3A_350 = tpu.memref_slice %arg6[%dma_start3A_346, %dma_start3A_348, %dma_start3A_349] : memref<2x512x64xf32, #tpu.memory_space<vmem>> -> memref<1x128x64xf32, #tpu.memory_space<vmem>>
        %dma_start3A_351 = tpu.memref_squeeze %dma_start3A_350 : memref<1x128x64xf32, #tpu.memory_space<vmem>> -> memref<128x64xf32, #tpu.memory_space<vmem>>
        %dma_start3A_352 = arith.constant 128 : i32
        %dma_start3A_353 = tpu.memref_slice %arg5[%add3A_331, %dma_start3A_352] : memref<50x512xi32, #tpu.memory_space<vmem>> -> memref<1x128xi32, #tpu.memory_space<vmem>>
        %dma_start3A_354 = tpu.memref_squeeze %dma_start3A_353 : memref<1x128xi32, #tpu.memory_space<vmem>> -> memref<128xi32, #tpu.memory_space<vmem>>
        %dma_start3A_355 = arith.constant 0 : i32
        %dma_start3A_356 = arith.constant 0 : i32
        %dma_start3A_357 = tpu.memref_slice %arg3[%dma_start3A_355, %dma_start3A_356] : memref<1000000x64xf32, #tpu.memory_space<hbm>> -> memref<1000000x64xf32, #tpu.memory_space<hbm>>
        %dma_start3A_358 = tpu.memref_slice %arg7[%dma_start3A_347] : memref<2x!tpu.dma_semaphore, #tpu.memory_space<semaphore_mem>> -> memref<1x!tpu.dma_semaphore, #tpu.memory_space<semaphore_mem>>
        %dma_start3A_359 = tpu.memref_squeeze %dma_start3A_358 : memref<1x!tpu.dma_semaphore, #tpu.memory_space<semaphore_mem>> -> memref<!tpu.dma_semaphore, #tpu.memory_space<semaphore_mem>>
        tpu.enqueue_indirect_dma source(%dma_start3A_357 : memref<1000000x64xf32, #tpu.memory_space<hbm>>) target(%dma_start3A_351 : memref<128x64xf32, #tpu.memory_space<vmem>>) offsets(%dma_start3A_354 : memref<128xi32, #tpu.memory_space<vmem>>) semaphore(%dma_start3A_359 : memref<!tpu.dma_semaphore, #tpu.memory_space<semaphore_mem>>)
        %dma_start3A_360 = arith.constant 0 : i32
        %dma_start3A_361 = arith.constant 0 : i32
        %dma_start3A_362 = arith.constant 256 : i32
        %dma_start3A_363 = arith.constant 0 : i32
        %dma_start3A_364 = tpu.memref_slice %arg6[%dma_start3A_360, %dma_start3A_362, %dma_start3A_363] : memref<2x512x64xf32, #tpu.memory_space<vmem>> -> memref<1x128x64xf32, #tpu.memory_space<vmem>>
        %dma_start3A_365 = tpu.memref_squeeze %dma_start3A_364 : memref<1x128x64xf32, #tpu.memory_space<vmem>> -> memref<128x64xf32, #tpu.memory_space<vmem>>
        %dma_start3A_366 = arith.constant 256 : i32
        %dma_start3A_367 = tpu.memref_slice %arg5[%add3A_331, %dma_start3A_366] : memref<50x512xi32, #tpu.memory_space<vmem>> -> memref<1x128xi32, #tpu.memory_space<vmem>>
        %dma_start3A_368 = tpu.memref_squeeze %dma_start3A_367 : memref<1x128xi32, #tpu.memory_space<vmem>> -> memref<128xi32, #tpu.memory_space<vmem>>
        %dma_start3A_369 = arith.constant 0 : i32
        %dma_start3A_370 = arith.constant 0 : i32
        %dma_start3A_371 = tpu.memref_slice %arg3[%dma_start3A_369, %dma_start3A_370] : memref<1000000x64xf32, #tpu.memory_space<hbm>> -> memref<1000000x64xf32, #tpu.memory_space<hbm>>
        %dma_start3A_372 = tpu.memref_slice %arg7[%dma_start3A_361] : memref<2x!tpu.dma_semaphore, #tpu.memory_space<semaphore_mem>> -> memref<1x!tpu.dma_semaphore, #tpu.memory_space<semaphore_mem>>
        %dma_start3A_373 = tpu.memref_squeeze %dma_start3A_372 : memref<1x!tpu.dma_semaphore, #tpu.memory_space<semaphore_mem>> -> memref<!tpu.dma_semaphore, #tpu.memory_space<semaphore_mem>>
        tpu.enqueue_indirect_dma source(%dma_start3A_371 : memref<1000000x64xf32, #tpu.memory_space<hbm>>) target(%dma_start3A_365 : memref<128x64xf32, #tpu.memory_space<vmem>>) offsets(%dma_start3A_368 : memref<128xi32, #tpu.memory_space<vmem>>) semaphore(%dma_start3A_373 : memref<!tpu.dma_semaphore, #tpu.memory_space<semaphore_mem>>)
        %dma_start3A_374 = arith.constant 0 : i32
        %dma_start3A_375 = arith.constant 0 : i32
        %dma_start3A_376 = arith.constant 384 : i32
        %dma_start3A_377 = arith.constant 0 : i32
        %dma_start3A_378 = tpu.memref_slice %arg6[%dma_start3A_374, %dma_start3A_376, %dma_start3A_377] : memref<2x512x64xf32, #tpu.memory_space<vmem>> -> memref<1x128x64xf32, #tpu.memory_space<vmem>>
        %dma_start3A_379 = tpu.memref_squeeze %dma_start3A_378 : memref<1x128x64xf32, #tpu.memory_space<vmem>> -> memref<128x64xf32, #tpu.memory_space<vmem>>
        %dma_start3A_380 = arith.constant 384 : i32
        %dma_start3A_381 = tpu.memref_slice %arg5[%add3A_331, %dma_start3A_380] : memref<50x512xi32, #tpu.memory_space<vmem>> -> memref<1x128xi32, #tpu.memory_space<vmem>>
        %dma_start3A_382 = tpu.memref_squeeze %dma_start3A_381 : memref<1x128xi32, #tpu.memory_space<vmem>> -> memref<128xi32, #tpu.memory_space<vmem>>
        %dma_start3A_383 = arith.constant 0 : i32
        %dma_start3A_384 = arith.constant 0 : i32
        %dma_start3A_385 = tpu.memref_slice %arg3[%dma_start3A_383, %dma_start3A_384] : memref<1000000x64xf32, #tpu.memory_space<hbm>> -> memref<1000000x64xf32, #tpu.memory_space<hbm>>
        %dma_start3A_386 = tpu.memref_slice %arg7[%dma_start3A_375] : memref<2x!tpu.dma_semaphore, #tpu.memory_space<semaphore_mem>> -> memref<1x!tpu.dma_semaphore, #tpu.memory_space<semaphore_mem>>
        %dma_start3A_387 = tpu.memref_squeeze %dma_start3A_386 : memref<1x!tpu.dma_semaphore, #tpu.memory_space<semaphore_mem>> -> memref<!tpu.dma_semaphore, #tpu.memory_space<semaphore_mem>>
        tpu.enqueue_indirect_dma source(%dma_start3A_385 : memref<1000000x64xf32, #tpu.memory_space<hbm>>) target(%dma_start3A_379 : memref<128x64xf32, #tpu.memory_space<vmem>>) offsets(%dma_start3A_382 : memref<128xi32, #tpu.memory_space<vmem>>) semaphore(%dma_start3A_387 : memref<!tpu.dma_semaphore, #tpu.memory_space<semaphore_mem>>)
      } else {
      }
      %mul3A_227 = arith.constant 2 : i32
      %mul3A_228 = arith.muli %scan3A_127, %mul3A_227 : i32
      %add3A_229 = arith.constant 1 : i32
      %add3A_230 = arith.addi %mul3A_228, %add3A_229 : i32
      %dma_wait3A_231 = arith.constant 1 : i32
      %dma_wait3A_232 = arith.constant 1 : i32
      %dma_wait3A_233 = arith.constant 0 : i32
      %dma_wait3A_234 = arith.constant 0 : i32
      %dma_wait3A_235 = tpu.memref_slice %arg6[%dma_wait3A_231, %dma_wait3A_233, %dma_wait3A_234] : memref<2x512x64xf32, #tpu.memory_space<vmem>> -> memref<1x128x64xf32, #tpu.memory_space<vmem>>
      %dma_wait3A_236 = tpu.memref_squeeze %dma_wait3A_235 : memref<1x128x64xf32, #tpu.memory_space<vmem>> -> memref<128x64xf32, #tpu.memory_space<vmem>>
      %dma_wait3A_237 = arith.constant 0 : i32
      %dma_wait3A_238 = tpu.memref_slice %arg5[%add3A_230, %dma_wait3A_237] : memref<50x512xi32, #tpu.memory_space<vmem>> -> memref<1x128xi32, #tpu.memory_space<vmem>>
      %dma_wait3A_239 = tpu.memref_squeeze %dma_wait3A_238 : memref<1x128xi32, #tpu.memory_space<vmem>> -> memref<128xi32, #tpu.memory_space<vmem>>
      %dma_wait3A_240 = arith.constant 0 : i32
      %dma_wait3A_241 = arith.constant 0 : i32
      %dma_wait3A_242 = tpu.memref_slice %arg3[%dma_wait3A_240, %dma_wait3A_241] : memref<1000000x64xf32, #tpu.memory_space<hbm>> -> memref<1000000x64xf32, #tpu.memory_space<hbm>>
      %dma_wait3A_243 = tpu.memref_slice %arg7[%dma_wait3A_232] : memref<2x!tpu.dma_semaphore, #tpu.memory_space<semaphore_mem>> -> memref<1x!tpu.dma_semaphore, #tpu.memory_space<semaphore_mem>>
      %dma_wait3A_244 = tpu.memref_squeeze %dma_wait3A_243 : memref<1x!tpu.dma_semaphore, #tpu.memory_space<semaphore_mem>> -> memref<!tpu.dma_semaphore, #tpu.memory_space<semaphore_mem>>
      tpu.wait_indirect_dma semaphore(%dma_wait3A_244 : memref<!tpu.dma_semaphore, #tpu.memory_space<semaphore_mem>>) src(%dma_wait3A_242 : memref<1000000x64xf32, #tpu.memory_space<hbm>>) dst(%dma_wait3A_236 : memref<128x64xf32, #tpu.memory_space<vmem>>)
      %dma_wait3A_245 = arith.constant 1 : i32
      %dma_wait3A_246 = arith.constant 1 : i32
      %dma_wait3A_247 = arith.constant 128 : i32
      %dma_wait3A_248 = arith.constant 0 : i32
      %dma_wait3A_249 = tpu.memref_slice %arg6[%dma_wait3A_245, %dma_wait3A_247, %dma_wait3A_248] : memref<2x512x64xf32, #tpu.memory_space<vmem>> -> memref<1x128x64xf32, #tpu.memory_space<vmem>>
      %dma_wait3A_250 = tpu.memref_squeeze %dma_wait3A_249 : memref<1x128x64xf32, #tpu.memory_space<vmem>> -> memref<128x64xf32, #tpu.memory_space<vmem>>
      %dma_wait3A_251 = arith.constant 128 : i32
      %dma_wait3A_252 = tpu.memref_slice %arg5[%add3A_230, %dma_wait3A_251] : memref<50x512xi32, #tpu.memory_space<vmem>> -> memref<1x128xi32, #tpu.memory_space<vmem>>
      %dma_wait3A_253 = tpu.memref_squeeze %dma_wait3A_252 : memref<1x128xi32, #tpu.memory_space<vmem>> -> memref<128xi32, #tpu.memory_space<vmem>>
      %dma_wait3A_254 = arith.constant 0 : i32
      %dma_wait3A_255 = arith.constant 0 : i32
      %dma_wait3A_256 = tpu.memref_slice %arg3[%dma_wait3A_254, %dma_wait3A_255] : memref<1000000x64xf32, #tpu.memory_space<hbm>> -> memref<1000000x64xf32, #tpu.memory_space<hbm>>
      %dma_wait3A_257 = tpu.memref_slice %arg7[%dma_wait3A_246] : memref<2x!tpu.dma_semaphore, #tpu.memory_space<semaphore_mem>> -> memref<1x!tpu.dma_semaphore, #tpu.memory_space<semaphore_mem>>
      %dma_wait3A_258 = tpu.memref_squeeze %dma_wait3A_257 : memref<1x!tpu.dma_semaphore, #tpu.memory_space<semaphore_mem>> -> memref<!tpu.dma_semaphore, #tpu.memory_space<semaphore_mem>>
      tpu.wait_indirect_dma semaphore(%dma_wait3A_258 : memref<!tpu.dma_semaphore, #tpu.memory_space<semaphore_mem>>) src(%dma_wait3A_256 : memref<1000000x64xf32, #tpu.memory_space<hbm>>) dst(%dma_wait3A_250 : memref<128x64xf32, #tpu.memory_space<vmem>>)
      %dma_wait3A_259 = arith.constant 1 : i32
      %dma_wait3A_260 = arith.constant 1 : i32
      %dma_wait3A_261 = arith.constant 256 : i32
      %dma_wait3A_262 = arith.constant 0 : i32
      %dma_wait3A_263 = tpu.memref_slice %arg6[%dma_wait3A_259, %dma_wait3A_261, %dma_wait3A_262] : memref<2x512x64xf32, #tpu.memory_space<vmem>> -> memref<1x128x64xf32, #tpu.memory_space<vmem>>
      %dma_wait3A_264 = tpu.memref_squeeze %dma_wait3A_263 : memref<1x128x64xf32, #tpu.memory_space<vmem>> -> memref<128x64xf32, #tpu.memory_space<vmem>>
      %dma_wait3A_265 = arith.constant 256 : i32
      %dma_wait3A_266 = tpu.memref_slice %arg5[%add3A_230, %dma_wait3A_265] : memref<50x512xi32, #tpu.memory_space<vmem>> -> memref<1x128xi32, #tpu.memory_space<vmem>>
      %dma_wait3A_267 = tpu.memref_squeeze %dma_wait3A_266 : memref<1x128xi32, #tpu.memory_space<vmem>> -> memref<128xi32, #tpu.memory_space<vmem>>
      %dma_wait3A_268 = arith.constant 0 : i32
      %dma_wait3A_269 = arith.constant 0 : i32
      %dma_wait3A_270 = tpu.memref_slice %arg3[%dma_wait3A_268, %dma_wait3A_269] : memref<1000000x64xf32, #tpu.memory_space<hbm>> -> memref<1000000x64xf32, #tpu.memory_space<hbm>>
      %dma_wait3A_271 = tpu.memref_slice %arg7[%dma_wait3A_260] : memref<2x!tpu.dma_semaphore, #tpu.memory_space<semaphore_mem>> -> memref<1x!tpu.dma_semaphore, #tpu.memory_space<semaphore_mem>>
      %dma_wait3A_272 = tpu.memref_squeeze %dma_wait3A_271 : memref<1x!tpu.dma_semaphore, #tpu.memory_space<semaphore_mem>> -> memref<!tpu.dma_semaphore, #tpu.memory_space<semaphore_mem>>
      tpu.wait_indirect_dma semaphore(%dma_wait3A_272 : memref<!tpu.dma_semaphore, #tpu.memory_space<semaphore_mem>>) src(%dma_wait3A_270 : memref<1000000x64xf32, #tpu.memory_space<hbm>>) dst(%dma_wait3A_264 : memref<128x64xf32, #tpu.memory_space<vmem>>)
      %dma_wait3A_273 = arith.constant 1 : i32
      %dma_wait3A_274 = arith.constant 1 : i32
      %dma_wait3A_275 = arith.constant 384 : i32
      %dma_wait3A_276 = arith.constant 0 : i32
      %dma_wait3A_277 = tpu.memref_slice %arg6[%dma_wait3A_273, %dma_wait3A_275, %dma_wait3A_276] : memref<2x512x64xf32, #tpu.memory_space<vmem>> -> memref<1x128x64xf32, #tpu.memory_space<vmem>>
      %dma_wait3A_278 = tpu.memref_squeeze %dma_wait3A_277 : memref<1x128x64xf32, #tpu.memory_space<vmem>> -> memref<128x64xf32, #tpu.memory_space<vmem>>
      %dma_wait3A_279 = arith.constant 384 : i32
      %dma_wait3A_280 = tpu.memref_slice %arg5[%add3A_230, %dma_wait3A_279] : memref<50x512xi32, #tpu.memory_space<vmem>> -> memref<1x128xi32, #tpu.memory_space<vmem>>
      %dma_wait3A_281 = tpu.memref_squeeze %dma_wait3A_280 : memref<1x128xi32, #tpu.memory_space<vmem>> -> memref<128xi32, #tpu.memory_space<vmem>>
      %dma_wait3A_282 = arith.constant 0 : i32
      %dma_wait3A_283 = arith.constant 0 : i32
      %dma_wait3A_284 = tpu.memref_slice %arg3[%dma_wait3A_282, %dma_wait3A_283] : memref<1000000x64xf32, #tpu.memory_space<hbm>> -> memref<1000000x64xf32, #tpu.memory_space<hbm>>
      %dma_wait3A_285 = tpu.memref_slice %arg7[%dma_wait3A_274] : memref<2x!tpu.dma_semaphore, #tpu.memory_space<semaphore_mem>> -> memref<1x!tpu.dma_semaphore, #tpu.memory_space<semaphore_mem>>
      %dma_wait3A_286 = tpu.memref_squeeze %dma_wait3A_285 : memref<1x!tpu.dma_semaphore, #tpu.memory_space<semaphore_mem>> -> memref<!tpu.dma_semaphore, #tpu.memory_space<semaphore_mem>>
      tpu.wait_indirect_dma semaphore(%dma_wait3A_286 : memref<!tpu.dma_semaphore, #tpu.memory_space<semaphore_mem>>) src(%dma_wait3A_284 : memref<1000000x64xf32, #tpu.memory_space<hbm>>) dst(%dma_wait3A_278 : memref<128x64xf32, #tpu.memory_space<vmem>>)
      %dma_start3A_287 = arith.constant 1 : i32
      %dma_start3A_288 = arith.constant 1 : i32
      %dma_start3A_289 = arith.constant 0 : i32
      %dma_start3A_290 = arith.constant 0 : i32
      %dma_start3A_291 = tpu.memref_slice %arg6[%dma_start3A_287, %dma_start3A_289, %dma_start3A_290] : memref<2x512x64xf32, #tpu.memory_space<vmem>> -> memref<1x512x64xf32, #tpu.memory_space<vmem>>
      %dma_start3A_292 = tpu.memref_squeeze %dma_start3A_291 : memref<1x512x64xf32, #tpu.memory_space<vmem>> -> memref<512x64xf32, #tpu.memory_space<vmem>>
      %dma_start3A_293 = arith.constant 0 : i32
      %dma_start3A_294 = tpu.memref_slice %arg4[%add3A_230, %multiple_of3A, %dma_start3A_293] : memref<50x16384x64xf32, #tpu.memory_space<hbm>> -> memref<1x512x64xf32, #tpu.memory_space<hbm>>
      %dma_start3A_295 = tpu.memref_squeeze %dma_start3A_294 : memref<1x512x64xf32, #tpu.memory_space<hbm>> -> memref<512x64xf32, #tpu.memory_space<hbm>>
      %dma_start3A_296 = tpu.memref_slice %arg8[%dma_start3A_288] : memref<2x!tpu.dma_semaphore, #tpu.memory_space<semaphore_mem>> -> memref<1x!tpu.dma_semaphore, #tpu.memory_space<semaphore_mem>>
      %dma_start3A_297 = tpu.memref_squeeze %dma_start3A_296 : memref<1x!tpu.dma_semaphore, #tpu.memory_space<semaphore_mem>> -> memref<!tpu.dma_semaphore, #tpu.memory_space<semaphore_mem>>
      %dma_start3A_298 = arith.constant 0 : i32
      %dma_start3A_299 = tpu.memref_slice %arg4[%add3A_230, %multiple_of3A, %dma_start3A_298] : memref<50x16384x64xf32, #tpu.memory_space<hbm>> -> memref<1x512x64xf32, #tpu.memory_space<hbm>>
      %dma_start3A_300 = tpu.memref_squeeze %dma_start3A_299 : memref<1x512x64xf32, #tpu.memory_space<hbm>> -> memref<512x64xf32, #tpu.memory_space<hbm>>
      %dma_start3A_301 = arith.constant 0 : i32
      %dma_start3A_302 = arith.constant 0 : i32
      %dma_start3A_303 = tpu.memref_slice %arg6[%dma_start3A_287, %dma_start3A_301, %dma_start3A_302] : memref<2x512x64xf32, #tpu.memory_space<vmem>> -> memref<1x512x64xf32, #tpu.memory_space<vmem>>
      %dma_start3A_304 = tpu.memref_squeeze %dma_start3A_303 : memref<1x512x64xf32, #tpu.memory_space<vmem>> -> memref<512x64xf32, #tpu.memory_space<vmem>>
      tpu.enqueue_dma source(%dma_start3A_304 : memref<512x64xf32, #tpu.memory_space<vmem>>) target(%dma_start3A_300 : memref<512x64xf32, #tpu.memory_space<hbm>>) target_semaphore(%dma_start3A_297 : memref<!tpu.dma_semaphore, #tpu.memory_space<semaphore_mem>>)
      %dma_wait3A_305 = arith.constant 1 : i32
      %dma_wait3A_306 = arith.constant 1 : i32
      %dma_wait3A_307 = arith.constant 0 : i32
      %dma_wait3A_308 = arith.constant 0 : i32
      %dma_wait3A_309 = tpu.memref_slice %arg6[%dma_wait3A_305, %dma_wait3A_307, %dma_wait3A_308] : memref<2x512x64xf32, #tpu.memory_space<vmem>> -> memref<1x512x64xf32, #tpu.memory_space<vmem>>
      %dma_wait3A_310 = tpu.memref_squeeze %dma_wait3A_309 : memref<1x512x64xf32, #tpu.memory_space<vmem>> -> memref<512x64xf32, #tpu.memory_space<vmem>>
      %dma_wait3A_311 = arith.constant 0 : i32
      %dma_wait3A_312 = tpu.memref_slice %arg4[%add3A_230, %multiple_of3A, %dma_wait3A_311] : memref<50x16384x64xf32, #tpu.memory_space<hbm>> -> memref<1x512x64xf32, #tpu.memory_space<hbm>>
      %dma_wait3A_313 = tpu.memref_squeeze %dma_wait3A_312 : memref<1x512x64xf32, #tpu.memory_space<hbm>> -> memref<512x64xf32, #tpu.memory_space<hbm>>
      %dma_wait3A_314 = tpu.memref_slice %arg8[%dma_wait3A_306] : memref<2x!tpu.dma_semaphore, #tpu.memory_space<semaphore_mem>> -> memref<1x!tpu.dma_semaphore, #tpu.memory_space<semaphore_mem>>
      %dma_wait3A_315 = tpu.memref_squeeze %dma_wait3A_314 : memref<1x!tpu.dma_semaphore, #tpu.memory_space<semaphore_mem>> -> memref<!tpu.dma_semaphore, #tpu.memory_space<semaphore_mem>>
      %dma_wait3A_316 = arith.constant 0 : i32
      %dma_wait3A_317 = tpu.memref_slice %arg4[%add3A_230, %multiple_of3A, %dma_wait3A_316] : memref<50x16384x64xf32, #tpu.memory_space<hbm>> -> memref<1x512x64xf32, #tpu.memory_space<hbm>>
      %dma_wait3A_318 = tpu.memref_squeeze %dma_wait3A_317 : memref<1x512x64xf32, #tpu.memory_space<hbm>> -> memref<512x64xf32, #tpu.memory_space<hbm>>
      %dma_wait3A_319 = arith.constant 0 : i32
      %dma_wait3A_320 = arith.constant 0 : i32
      %dma_wait3A_321 = tpu.memref_slice %arg6[%dma_wait3A_305, %dma_wait3A_319, %dma_wait3A_320] : memref<2x512x64xf32, #tpu.memory_space<vmem>> -> memref<1x512x64xf32, #tpu.memory_space<vmem>>
      %dma_wait3A_322 = tpu.memref_squeeze %dma_wait3A_321 : memref<1x512x64xf32, #tpu.memory_space<vmem>> -> memref<512x64xf32, #tpu.memory_space<vmem>>
      tpu.wait_dma2 semaphore(%dma_wait3A_315 : memref<!tpu.dma_semaphore, #tpu.memory_space<semaphore_mem>>) src(%dma_wait3A_322 : memref<512x64xf32, #tpu.memory_space<vmem>>) dst(%dma_wait3A_318 : memref<512x64xf32, #tpu.memory_space<hbm>>)
      %add3A_323 = arith.constant 2 : i32
      %add3A_324 = arith.addi %add3A_230, %add3A_323 : i32
      %lt3A_325 = arith.constant 50 : i32
      %lt3A_326 = arith.cmpi slt, %add3A_324, %lt3A_325 : i32
      %convert_element_type3A_327 = arith.extui %lt3A_326 : i1 to i32
      %cond3A_328 = arith.constant 0 : i32
      %cond3A_329 = arith.cmpi ne, %convert_element_type3A_327, %cond3A_328 : i32
      scf.if %cond3A_329 {
        %add3A_330 = arith.constant 2 : i32
        %add3A_331 = arith.addi %add3A_230, %add3A_330 : i32
        %dma_start3A_332 = arith.constant 1 : i32
        %dma_start3A_333 = arith.constant 1 : i32
        %dma_start3A_334 = arith.constant 0 : i32
        %dma_start3A_335 = arith.constant 0 : i32
        %dma_start3A_336 = tpu.memref_slice %arg6[%dma_start3A_332, %dma_start3A_334, %dma_start3A_335] : memref<2x512x64xf32, #tpu.memory_space<vmem>> -> memref<1x128x64xf32, #tpu.memory_space<vmem>>
        %dma_start3A_337 = tpu.memref_squeeze %dma_start3A_336 : memref<1x128x64xf32, #tpu.memory_space<vmem>> -> memref<128x64xf32, #tpu.memory_space<vmem>>
        %dma_start3A_338 = arith.constant 0 : i32
        %dma_start3A_339 = tpu.memref_slice %arg5[%add3A_331, %dma_start3A_338] : memref<50x512xi32, #tpu.memory_space<vmem>> -> memref<1x128xi32, #tpu.memory_space<vmem>>
        %dma_start3A_340 = tpu.memref_squeeze %dma_start3A_339 : memref<1x128xi32, #tpu.memory_space<vmem>> -> memref<128xi32, #tpu.memory_space<vmem>>
        %dma_start3A_341 = arith.constant 0 : i32
        %dma_start3A_342 = arith.constant 0 : i32
        %dma_start3A_343 = tpu.memref_slice %arg3[%dma_start3A_341, %dma_start3A_342] : memref<1000000x64xf32, #tpu.memory_space<hbm>> -> memref<1000000x64xf32, #tpu.memory_space<hbm>>
        %dma_start3A_344 = tpu.memref_slice %arg7[%dma_start3A_333] : memref<2x!tpu.dma_semaphore, #tpu.memory_space<semaphore_mem>> -> memref<1x!tpu.dma_semaphore, #tpu.memory_space<semaphore_mem>>
        %dma_start3A_345 = tpu.memref_squeeze %dma_start3A_344 : memref<1x!tpu.dma_semaphore, #tpu.memory_space<semaphore_mem>> -> memref<!tpu.dma_semaphore, #tpu.memory_space<semaphore_mem>>
        tpu.enqueue_indirect_dma source(%dma_start3A_343 : memref<1000000x64xf32, #tpu.memory_space<hbm>>) target(%dma_start3A_337 : memref<128x64xf32, #tpu.memory_space<vmem>>) offsets(%dma_start3A_340 : memref<128xi32, #tpu.memory_space<vmem>>) semaphore(%dma_start3A_345 : memref<!tpu.dma_semaphore, #tpu.memory_space<semaphore_mem>>)
        %dma_start3A_346 = arith.constant 1 : i32
        %dma_start3A_347 = arith.constant 1 : i32
        %dma_start3A_348 = arith.constant 128 : i32
        %dma_start3A_349 = arith.constant 0 : i32
        %dma_start3A_350 = tpu.memref_slice %arg6[%dma_start3A_346, %dma_start3A_348, %dma_start3A_349] : memref<2x512x64xf32, #tpu.memory_space<vmem>> -> memref<1x128x64xf32, #tpu.memory_space<vmem>>
        %dma_start3A_351 = tpu.memref_squeeze %dma_start3A_350 : memref<1x128x64xf32, #tpu.memory_space<vmem>> -> memref<128x64xf32, #tpu.memory_space<vmem>>
        %dma_start3A_352 = arith.constant 128 : i32
        %dma_start3A_353 = tpu.memref_slice %arg5[%add3A_331, %dma_start3A_352] : memref<50x512xi32, #tpu.memory_space<vmem>> -> memref<1x128xi32, #tpu.memory_space<vmem>>
        %dma_start3A_354 = tpu.memref_squeeze %dma_start3A_353 : memref<1x128xi32, #tpu.memory_space<vmem>> -> memref<128xi32, #tpu.memory_space<vmem>>
        %dma_start3A_355 = arith.constant 0 : i32
        %dma_start3A_356 = arith.constant 0 : i32
        %dma_start3A_357 = tpu.memref_slice %arg3[%dma_start3A_355, %dma_start3A_356] : memref<1000000x64xf32, #tpu.memory_space<hbm>> -> memref<1000000x64xf32, #tpu.memory_space<hbm>>
        %dma_start3A_358 = tpu.memref_slice %arg7[%dma_start3A_347] : memref<2x!tpu.dma_semaphore, #tpu.memory_space<semaphore_mem>> -> memref<1x!tpu.dma_semaphore, #tpu.memory_space<semaphore_mem>>
        %dma_start3A_359 = tpu.memref_squeeze %dma_start3A_358 : memref<1x!tpu.dma_semaphore, #tpu.memory_space<semaphore_mem>> -> memref<!tpu.dma_semaphore, #tpu.memory_space<semaphore_mem>>
        tpu.enqueue_indirect_dma source(%dma_start3A_357 : memref<1000000x64xf32, #tpu.memory_space<hbm>>) target(%dma_start3A_351 : memref<128x64xf32, #tpu.memory_space<vmem>>) offsets(%dma_start3A_354 : memref<128xi32, #tpu.memory_space<vmem>>) semaphore(%dma_start3A_359 : memref<!tpu.dma_semaphore, #tpu.memory_space<semaphore_mem>>)
        %dma_start3A_360 = arith.constant 1 : i32
        %dma_start3A_361 = arith.constant 1 : i32
        %dma_start3A_362 = arith.constant 256 : i32
        %dma_start3A_363 = arith.constant 0 : i32
        %dma_start3A_364 = tpu.memref_slice %arg6[%dma_start3A_360, %dma_start3A_362, %dma_start3A_363] : memref<2x512x64xf32, #tpu.memory_space<vmem>> -> memref<1x128x64xf32, #tpu.memory_space<vmem>>
        %dma_start3A_365 = tpu.memref_squeeze %dma_start3A_364 : memref<1x128x64xf32, #tpu.memory_space<vmem>> -> memref<128x64xf32, #tpu.memory_space<vmem>>
        %dma_start3A_366 = arith.constant 256 : i32
        %dma_start3A_367 = tpu.memref_slice %arg5[%add3A_331, %dma_start3A_366] : memref<50x512xi32, #tpu.memory_space<vmem>> -> memref<1x128xi32, #tpu.memory_space<vmem>>
        %dma_start3A_368 = tpu.memref_squeeze %dma_start3A_367 : memref<1x128xi32, #tpu.memory_space<vmem>> -> memref<128xi32, #tpu.memory_space<vmem>>
        %dma_start3A_369 = arith.constant 0 : i32
        %dma_start3A_370 = arith.constant 0 : i32
        %dma_start3A_371 = tpu.memref_slice %arg3[%dma_start3A_369, %dma_start3A_370] : memref<1000000x64xf32, #tpu.memory_space<hbm>> -> memref<1000000x64xf32, #tpu.memory_space<hbm>>
        %dma_start3A_372 = tpu.memref_slice %arg7[%dma_start3A_361] : memref<2x!tpu.dma_semaphore, #tpu.memory_space<semaphore_mem>> -> memref<1x!tpu.dma_semaphore, #tpu.memory_space<semaphore_mem>>
        %dma_start3A_373 = tpu.memref_squeeze %dma_start3A_372 : memref<1x!tpu.dma_semaphore, #tpu.memory_space<semaphore_mem>> -> memref<!tpu.dma_semaphore, #tpu.memory_space<semaphore_mem>>
        tpu.enqueue_indirect_dma source(%dma_start3A_371 : memref<1000000x64xf32, #tpu.memory_space<hbm>>) target(%dma_start3A_365 : memref<128x64xf32, #tpu.memory_space<vmem>>) offsets(%dma_start3A_368 : memref<128xi32, #tpu.memory_space<vmem>>) semaphore(%dma_start3A_373 : memref<!tpu.dma_semaphore, #tpu.memory_space<semaphore_mem>>)
        %dma_start3A_374 = arith.constant 1 : i32
        %dma_start3A_375 = arith.constant 1 : i32
        %dma_start3A_376 = arith.constant 384 : i32
        %dma_start3A_377 = arith.constant 0 : i32
        %dma_start3A_378 = tpu.memref_slice %arg6[%dma_start3A_374, %dma_start3A_376, %dma_start3A_377] : memref<2x512x64xf32, #tpu.memory_space<vmem>> -> memref<1x128x64xf32, #tpu.memory_space<vmem>>
        %dma_start3A_379 = tpu.memref_squeeze %dma_start3A_378 : memref<1x128x64xf32, #tpu.memory_space<vmem>> -> memref<128x64xf32, #tpu.memory_space<vmem>>
        %dma_start3A_380 = arith.constant 384 : i32
        %dma_start3A_381 = tpu.memref_slice %arg5[%add3A_331, %dma_start3A_380] : memref<50x512xi32, #tpu.memory_space<vmem>> -> memref<1x128xi32, #tpu.memory_space<vmem>>
        %dma_start3A_382 = tpu.memref_squeeze %dma_start3A_381 : memref<1x128xi32, #tpu.memory_space<vmem>> -> memref<128xi32, #tpu.memory_space<vmem>>
        %dma_start3A_383 = arith.constant 0 : i32
        %dma_start3A_384 = arith.constant 0 : i32
        %dma_start3A_385 = tpu.memref_slice %arg3[%dma_start3A_383, %dma_start3A_384] : memref<1000000x64xf32, #tpu.memory_space<hbm>> -> memref<1000000x64xf32, #tpu.memory_space<hbm>>
        %dma_start3A_386 = tpu.memref_slice %arg7[%dma_start3A_375] : memref<2x!tpu.dma_semaphore, #tpu.memory_space<semaphore_mem>> -> memref<1x!tpu.dma_semaphore, #tpu.memory_space<semaphore_mem>>
        %dma_start3A_387 = tpu.memref_squeeze %dma_start3A_386 : memref<1x!tpu.dma_semaphore, #tpu.memory_space<semaphore_mem>> -> memref<!tpu.dma_semaphore, #tpu.memory_space<semaphore_mem>>
        tpu.enqueue_indirect_dma source(%dma_start3A_385 : memref<1000000x64xf32, #tpu.memory_space<hbm>>) target(%dma_start3A_379 : memref<128x64xf32, #tpu.memory_space<vmem>>) offsets(%dma_start3A_382 : memref<128xi32, #tpu.memory_space<vmem>>) semaphore(%dma_start3A_387 : memref<!tpu.dma_semaphore, #tpu.memory_space<semaphore_mem>>)
      } else {
      }
    }
    %scan3A_126 = arith.constant 25 : i32
    return
  }
}

module attributes {stable_mosaic.version = 14 : i64} {
  func.func @_repack_body(%arg0: i32, %arg1: memref<64x8192xf32, #tpu.memory_space<vmem>>, %arg2: memref<8192x64xf32, #tpu.memory_space<vmem>>) attributes {dimension_semantics = [#tpu.dimension_semantics<arbitrary>], iteration_bounds = array<i64: 123>, scalar_prefetch = 0 : i64, scratch_operands = 0 : i64, tpu.core_type = #tpu.core_type<tc>, window_params = [{transform_indices = @transform_0, window_bounds = array<i64: 64, 8192>}, {transform_indices = @transform_1, window_bounds = array<i64: 8192, 64>}]} {
    %get3A = arith.constant 0 : index
    %get3A_0 = arith.constant 0 : index
    %get3A_1 = vector.load %arg1[%get3A, %get3A_0] : memref<64x8192xf32, #tpu.memory_space<vmem>>, vector<64x8192xf32>
    %iota3A = tpu.iota {dimensions = array<i32: 0>} : vector<64x64xi32>
    %iota3A_2 = tpu.iota {dimensions = array<i32: 1>} : vector<64x64xi32>
    %add3A = arith.constant 0 : i32
    %add3A_3 = vector.broadcast %add3A : i32 to vector<64x64xi32>
    %add3A_4 = arith.addi %iota3A, %add3A_3 : vector<64x64xi32>
    %eq3A = arith.cmpi eq, %add3A_4, %iota3A_2 : vector<64x64xi32>
    %convert_element_type3A = arith.extui %eq3A : vector<64x64xi1> to vector<64x64xi32>
    %convert_element_type3A_5 = arith.sitofp %convert_element_type3A : vector<64x64xi32> to vector<64x64xf32>
    %dot_general3A = arith.constant dense<0.000000e+00> : vector<8192x64xf32>
    %dot_general3A_6 = tpu.matmul %get3A_1, %convert_element_type3A_5, %dot_general3A {dimension_numbers = #tpu.dot_dimension_numbers<[0], [0], [1], [1], [0, 1, 1, 1], [], []>, transpose_lhs_hint = false} : vector<64x8192xf32>, vector<64x64xf32>, vector<8192x64xf32> -> vector<8192x64xf32>
    %swap3A = arith.constant 0 : index
    %swap3A_7 = arith.constant 0 : index
    %swap3A_8 = vector.load %arg2[%swap3A, %swap3A_7] : memref<8192x64xf32, #tpu.memory_space<vmem>>, vector<8192x64xf32>
    tpu.vector_store %arg2[%swap3A, %swap3A_7], %dot_general3A_6 {strides = array<i32>} : memref<8192x64xf32, #tpu.memory_space<vmem>>, vector<8192x64xf32>,
    return
  }
  func.func @transform_0(%arg0: i32) -> (i32, i32) {
    %c0_i32 = arith.constant 0 : i32
    %c0_i32_0 = arith.constant 0 : i32
    return %c0_i32, %arg0 : i32, i32
  }
  func.func @transform_1(%arg0: i32) -> (i32, i32) {
    %c0_i32 = arith.constant 0 : i32
    %c0_i32_0 = arith.constant 0 : i32
    return %arg0, %c0_i32 : i32, i32
  }
}

module attributes {stable_mosaic.version = 14 : i64} {
  func.func @_tx_body(%arg0: i32, %arg1: i32, %arg2: memref<1x4096x64xf32, #tpu.memory_space<vmem>>, %arg3: memref<1x64x4096xf32, #tpu.memory_space<vmem>>) attributes {dimension_semantics = [#tpu.dimension_semantics<arbitrary>, #tpu.dimension_semantics<arbitrary>], iteration_bounds = array<i64: 50, 4>, scalar_prefetch = 0 : i64, scratch_operands = 0 : i64, tpu.core_type = #tpu.core_type<tc>, window_params = [{transform_indices = @transform_0, window_bounds = array<i64: 1, 4096, 64>}, {transform_indices = @transform_1, window_bounds = array<i64: 1, 64, 4096>}]} {
    %get3A = arith.constant 0 : index
    %get3A_0 = arith.constant 0 : index
    %get3A_1 = arith.constant 0 : index
    %get3A_2 = vector.load %arg2[%get3A, %get3A_0, %get3A_1] : memref<1x4096x64xf32, #tpu.memory_space<vmem>>, vector<1x4096x64xf32>
    %reshape3A = vector.shape_cast %get3A_2 : vector<1x4096x64xf32> to vector<4096x64xf32>
    %iota3A = tpu.iota {dimensions = array<i32: 0>} : vector<64x64xi32>
    %iota3A_3 = tpu.iota {dimensions = array<i32: 1>} : vector<64x64xi32>
    %add3A = arith.constant 0 : i32
    %add3A_4 = vector.broadcast %add3A : i32 to vector<64x64xi32>
    %add3A_5 = arith.addi %iota3A, %add3A_4 : vector<64x64xi32>
    %eq3A = arith.cmpi eq, %add3A_5, %iota3A_3 : vector<64x64xi32>
    %convert_element_type3A = arith.extui %eq3A : vector<64x64xi1> to vector<64x64xi32>
    %convert_element_type3A_6 = arith.sitofp %convert_element_type3A : vector<64x64xi32> to vector<64x64xf32>
    %dot_general3A = arith.constant dense<0.000000e+00> : vector<64x4096xf32>
    %dot_general3A_7 = tpu.matmul %convert_element_type3A_6, %reshape3A, %dot_general3A {dimension_numbers = #tpu.dot_dimension_numbers<[1], [1], [0], [0], [0, 0, 1, 0], [], []>, transpose_lhs_hint = false} : vector<64x64xf32>, vector<4096x64xf32>, vector<64x4096xf32> -> vector<64x4096xf32>
    %reshape3A_8 = vector.shape_cast %dot_general3A_7 : vector<64x4096xf32> to vector<1x64x4096xf32>
    %swap3A = arith.constant 0 : index
    %swap3A_9 = arith.constant 0 : index
    %swap3A_10 = arith.constant 0 : index
    %swap3A_11 = vector.load %arg3[%swap3A, %swap3A_9, %swap3A_10] : memref<1x64x4096xf32, #tpu.memory_space<vmem>>, vector<1x64x4096xf32>
    tpu.vector_store %arg3[%swap3A, %swap3A_9, %swap3A_10], %reshape3A_8 {strides = array<i32>} : memref<1x64x4096xf32, #tpu.memory_space<vmem>>, vector<1x64x4096xf32>,
    return
  }
  func.func @transform_0(%arg0: i32, %arg1: i32) -> (i32, i32, i32) {
    %c0_i32 = arith.constant 0 : i32
    %c0_i32_0 = arith.constant 0 : i32
    return %arg0, %arg1, %c0_i32 : i32, i32, i32
  }
  func.func @transform_1(%arg0: i32, %arg1: i32) -> (i32, i32, i32) {
    %c0_i32 = arith.constant 0 : i32
    %c0_i32_0 = arith.constant 0 : i32
    return %arg0, %c0_i32, %arg1 : i32, i32, i32
  }
}

</mosaic_0001>

<sc_bundles>
// kernel: kernel.5.cloned.1.call-start
scs
__scs_entry_jumppad:
0x0: {  	(pc) =	sbr.rel $0x88, $3  }
0x1: {  	(tag) =	ssettag $0x0;
	lr =	simm.s32 $0x1  }
0x2: {  	[smem:$0x3F9F] =	sst lr;
	_ =	strace $0xD0000000  }
0x3: {  	_ = 	snop  }
0x4: {  	_ = 	snop  }
0x5: {  	_ = 	snop  }
0x6: {  	_ = 	snop  }
0x7: {  	_ = 	snop  }
__scs_overlays_trampoline_lowered:
0x8: {  	[smem:$0x3FAE] =	sst s0  }
0x9: {  	[smem:$0x3FAF] =	sst s1  }
0xa: {  	[smem:$0x3FB0] =	sst s2  }
0xb: {  	[smem:$0x3FB1] =	sst s3  }
0xc: {  	[smem:$0x3FB2] =	sst s4  }
0xd: {  	[smem:$0x3FB3] =	sst s5  }
0xe: {  	[smem:$0x3FB4] =	sst s6  }
0xf: {  	[smem:$0x3FB5] =	sst s7  }
0x10: {  	[smem:$0x3FB6] =	sst s8  }
0x11: {  	[smem:$0x3FB7] =	sst s9;
	s0 =	simm.s32 @!p0 $0x0  }
0x12: {  	s1 =	sld [smem:$0x3F9D];
	s0 =	simm.s32 @p0 $0x1  }
0x13: {  	[smem:$0x3FB8] =	sst s0;
	s0 =	simm.s32 @!p1 $0x0  }
0x14: {  	s2 =	sld [smem:$0x3F9C];
	s0 =	simm.s32 @p1 $0x1  }
0x15: {  	[smem:$0x3FB9] =	sst s0;
	s0 =	simm.s32 @!p2 $0x0  }
0x16: {  	s3 =	sld [smem:$0x3FDB];
	s0 =	simm.s32 @p2 $0x1  }
0x17: {  	s4 =	simm.s32 $0x1BF5;
	[smem:$0x3FBB] =	sst s0  }
0x18: {  	s0 =	sld [smem:$0x3F9E];
	_ =	swait.ge [sflag:s4], $0x0  }
0x19: {  	s7 =	sld [smem:$0x3F9F]  }
0x1a: {  	s8 =	sadd.s32 $0xFFFFE003, lr  }
0x1b: {  	s9 =	sadd.s32 $0xFFFFFEF7, lr;
	s5 =	simm.s32 $0xFFFFFFFF;
	p2 =	slt.u32 s8, $0xFFFFF086  }
0x1c: {  	p1 =	slt.u32 s9, $0xF7A;
	s5 =	simm.s32 @!p2 $0x0  }
0x1d: {  	s5 =	simm.s32 @p1 $0x1;
	p0 =	seq.s32 s7, s2  }
0x1e: {  	s7 =	smul.u32 @!p0 $0xF7A, s2;
	p2 =	seq.s32 @!p0 s5, $0x0  }
0x1f: {  	s9 =	smul.u32 $0xF7A, s1;
	s8 =	simm.s32 @!p0 $0x1BF5;
	p2 =	por !p2, p0  }
0x20: {  	[sflag:s8] =	ssyncset.s32 @!p0 $0xFFFFF086;
	s6 =	sadd.s32 @!p0 s3, s7;
	s7 =	simm.s32 @!p0 $0x108  }
0x21: {  	s3 =	sadd.s32 s3, s9;
	s6 =	sadd.s32 @!p0 $0x88, s6;
	s7 =	simm.s32 @p2 $0x1082  }
0x22: {  	[simem:s7], [sflag:s8] =	dma.local @!p0 [hbm:s6], $0xF7A  }
0x23: {  	s9 =	sor.u32 $0xD0000000, s2;
	s6 =	simm.s32 $0x108;
	_ =	swait.ge @!p0 [sflag:s8], $0x0  }
0x24: {  	s3 =	sadd.s32 $0x88, s3;
	s6 =	simm.s32 @!p1 $0x1082;
	[sflag:s4] =	ssyncset.s32 $0xFFFFF086  }
0x25: {  	[simem:s6], [sflag:s4] =	dma.local [hbm:s3], $0xF7A  }
0x26: {  	[smem:$0x3F9F] =	sst s1;
	(tag) =	ssettag s2;
	_ =	strace s9  }
0x27: {  	s1 =	sld [smem:$0x3FAF]  }
0x28: {  	s2 =	sld [smem:$0x3FB0]  }
0x29: {  	s4 =	sld [smem:$0x3FB2]  }
0x2a: {  	p0 =	seq.s32 s5, $0x0;
	s5 =	sld [smem:$0x3FB3]  }
0x2b: {  	s6 =	sld [smem:$0x3FB4]  }
0x2c: {  	s7 =	sld [smem:$0x3FB5]  }
0x2d: {  	s3 =	simm.s32 $0x108;
	s8 =	sld [smem:$0x3FB6]  }
0x2e: {  	s3 =	simm.s32 @!p0 $0x1082;
	s9 =	sld [smem:$0x3FB7]  }
0x2f: {  	lr =	sadd.s32 s0, s3;
	s0 =	sld [smem:$0x3FAE]  }
0x30: {  	s3 =	sld [smem:$0x3FB1]  }
0x31: {  	[smem:$0x3FBA] =	sst s10  }
0x32: {  	s10 =	sld [smem:$0x3FB8];
	_ =	sdelay $0x3  }
0x33: {  	p0 =	seq.s32 s10, $0x1;
	s10 =	sld [smem:$0x3FBA];
	_ =	sdelay $0x3  }
0x34: {  	[smem:$0x3FBA] =	sst s10  }
0x35: {  	s10 =	sld [smem:$0x3FB9];
	_ =	sdelay $0x3  }
0x36: {  	p1 =	seq.s32 s10, $0x1;
	s10 =	sld [smem:$0x3FBA];
	_ =	sdelay $0x3  }
0x37: {  	[smem:$0x3FBA] =	sst s10  }
0x38: {  	s10 =	sld [smem:$0x3FBB]  }
0x39: {  	_ = 	snop;
	(pc) =	sbr.ind lr, $3  }
0x3a: {  	_ = 	snop  }
0x3b: {  	_ = 	snop  }
0x3c: {  	p2 =	seq.s32 s10, $0x1;
	s10 =	sld [smem:$0x3FBA]  }
0x3d: {  	_ =	shalt  }
0x3e: {  	_ =	shalt  }
0x3f: {  	_ =	shalt  }
0x40: {  	_ =	shalt  }
0x41: {  	_ =	shalt  }
0x42: {  	_ =	shalt  }
0x43: {  	_ =	shalt  }
0x44: {  	_ =	shalt  }
0x45: {  	_ =	shalt  }
0x46: {  	_ =	shalt  }
0x47: {  	_ =	shalt  }
0x48: {  	_ =	shalt  }
0x49: {  	_ =	shalt  }
0x4a: {  	_ =	shalt  }
0x4b: {  	_ =	shalt  }
0x4c: {  	_ =	shalt  }
0x4d: {  	_ =	shalt  }
0x4e: {  	_ =	shalt  }
0x4f: {  	_ =	shalt  }
0x50: {  	_ =	shalt  }
0x51: {  	_ =	shalt  }
0x52: {  	_ =	shalt  }
0x53: {  	_ =	shalt  }
0x54: {  	_ =	shalt  }
0x55: {  	_ =	shalt  }
0x56: {  	_ =	shalt  }
0x57: {  	_ =	shalt  }
0x58: {  	_ =	shalt  }
0x59: {  	_ =	shalt  }
0x5a: {  	_ =	shalt  }
0x5b: {  	_ =	shalt  }
0x5c: {  	_ =	shalt  }
0x5d: {  	_ =	shalt  }
0x5e: {  	_ =	shalt  }
0x5f: {  	_ =	shalt  }
0x60: {  	_ =	shalt  }
0x61: {  	_ =	shalt  }
0x62: {  	_ =	shalt  }
0x63: {  	_ =	shalt  }
0x64: {  	_ =	shalt  }
0x65: {  	_ =	shalt  }
0x66: {  	_ =	shalt  }
0x67: {  	_ =	shalt  }
0x68: {  	_ =	shalt  }
0x69: {  	_ =	shalt  }
0x6a: {  	_ =	shalt  }
0x6b: {  	_ =	shalt  }
0x6c: {  	_ =	shalt  }
0x6d: {  	_ =	shalt  }
0x6e: {  	_ =	shalt  }
0x6f: {  	_ =	shalt  }
0x70: {  	_ =	shalt  }
0x71: {  	_ =	shalt  }
0x72: {  	_ =	shalt  }
0x73: {  	_ =	shalt  }
0x74: {  	_ =	shalt  }
0x75: {  	_ =	shalt  }
0x76: {  	_ =	shalt  }
0x77: {  	_ =	shalt  }
0x78: {  	_ =	shalt  }
0x79: {  	_ =	shalt  }
0x7a: {  	_ =	shalt  }
0x7b: {  	_ =	shalt  }
0x7c: {  	_ =	shalt  }
0x7d: {  	_ =	shalt  }
0x7e: {  	_ =	shalt  }
0x7f: {  	_ =	shalt  }
0x80: {  	_ =	shalt  }
0x81: {  	_ =	shalt  }
0x82: {  	_ =	shalt  }
0x83: {  	_ =	shalt  }
0x84: {  	_ =	shalt  }
0x85: {  	_ =	shalt  }
0x86: {  	_ =	shalt  }
0x87: {  	_ =	shalt  }
.Lfunc_end0:
.L_simem_size_0:
called_computation_lowered:
.L_overlay_start_0:
0x88: {  	s2 =	sld [smem:$0x3FD9]  }
0x89: {  	s3 =	sld [smem:$0x3FFE];
	_ =	sdelay $0x1  }
0x8a: {  	s1 =	srdreg.scid  }
0x8b: {  	s0 =	sand.u32 $0x1, s1  }
0x8c: {  	s17 =	sshll.u32 s0, $0xA;
	s2 =	sadd.s32 s3, s2  }
0x8d: {  	s2 =	sadd.s32 s2, s17  }
0x8e: {  	[smem:$0x3FC6] =	sst s2  }
0x8f: {  	_ = 	snop  }
0x90: {  	s2 =	sld [smem:$0x3FD0];
	(tm) =	ssettm $0x1  }
0x91: {  	s18 =	sld [smem:$0x3FFB];
	_ =	sdelay $0x3  }
0x92: {  	_ =	strace s18  }
0x93: {  	s3 =	sld [smem:$0x3FFC];
	_ =	sdelay $0x3  }
0x94: {  	_ =	strace s3  }
0x95: {  	s3 =	sld [smem:$0x3FFD];
	_ =	sdelay $0x3  }
0x96: {  	_ =	strace s3  }
0x97: {  	_ =	strace $0x8FFFFFFF  }
0x98: {  	s19 =	sld [smem:$0x3FDB];
	_ =	sdelay $0x1  }
0x99: {  	s4 =	simm.s32 $_scs_section_size  }
0x9a: {  	s5 =	simm.s32 $_size__tile_overlayer_lowered;
	s6 =	simm.s32 $_tile_overlayer_lowered  }
0x9b: {  	s22 =	simm.s32 $0x1BFF;
	s21 =	sshll.u32 s6, $0x1;
	s3 =	sadd.s32 s4, s19  }
0x9c: {  	s7 =	simm.s32 $0x0;
	s20 =	sshll.u32 s5, $0x1;
	s5 =	sadd.s32 s21, s3  }
0x9d: {  	[timem:s7], [sflag:s22] =	dma.local [hbm:s5], s20  }
0x9e: {  	_ =	swait.ge [sflag:s22], s20  }
0x9f: {  	s4 =	ssub.s32 $0x0, s20;
	[sflag:s22] =	ssyncset.done $0x0  }
0xa0: {  	[sflag:s22] =	ssyncadd.s32 s4;
	_ =	sdelay $0x1  }
0xa1: {  	s23 =	simm.s32 $0x1B8B  }
0xa2: {  	_ =	swait.ge [sflag:s23], $0x1  }
0xa3: {  	[sflag:s23] =	ssyncset.done $0x0  }
0xa4: {  	s25 =	simm.s32 $0x1B8E;
	s24 =	sld [smem:$0x3FFE];
	[sflag:s23] =	ssyncadd.s32 $0xFFFFFFFF  }
0xa5: {  	s26 =	simm.s32 $execute0_lowered;
	[smem:$0x3FD2] =	sst s25  }
0xa6: {  	s5 =	sshll.u32 s26, $0x1;
	_ =	strace $0x80000046;
	[dreg:$0x1] =	wrdreg $0xFFFFFFFF  }
0xa7: {  	s28 =	simm.s32 $_size_execute0_lowered;
	s3 =	sadd.s32 s3, s5;
	[dreg:$0x0] =	wrdreg $0x0  }
0xa8: {  	s5 =	sshll.u32 s28, $0x1;
	[dreg:$0x2] =	wrdreg s3  }
0xa9: {  	[dreg:$0x3] =	wrdreg s5  }
0xaa: {  	[dreg:$0x4] =	wrdreg $0xC0  }
0xab: {  	_ =	task [dreg:s7], $0x5FFFF  }
0xac: {  	[dreg:$0x1] =	wrdreg $0xFFFFFFFF  }
0xad: {  	[dreg:$0x0] =	wrdreg $0x60  }
0xae: {  	[dreg:$0x2] =	wrdreg s24  }
0xaf: {  	[dreg:$0x3] =	wrdreg s2  }
0xb0: {  	[dreg:$0x4] =	wrdreg $0x9  }
0xb1: {  	_ =	task.clear_ibuf [dreg:s7], $0x5FFFF;
	_ =	strace $0x90000046  }
0xb2: {  	s29 =	simm.s32 $0x9;
	_ =	strace $0x80000048  }
0xb3: {  	_ =	swait.ge [sflag:s29], $0x1  }
0xb4: {  	[sflag:s29] =	ssyncadd.s32 $0xFFFFFFFF  }
0xb5: {  	_ =	strace $0x90000048  }
0xb6: {  	_ =	sfence  }
0xb7: {  	s30 =	sld [smem:$0x0];
	_ =	sdelay $0x2  }
0xb8: {  	s31 =	sshll.u32 s1, $0xD;
	s1 =	sshrl.u32 s1, $0x2  }
0xb9: {  	s3 =	sand.u32 $0x4000, s31;
	s1 =	sadd.s32 s1, s30  }
0xba: {  	s0 =	sor.u32 s3, s0;
	s1 =	sshll.u32 s1, $0x11  }
0xbb: {  	s0 =	sor.u32 s1, s0  }
0xbc: {  	s0 =	sadd.s32 $0x8F2B, s0  }
0xbd: {  	[sflag:s0] =	ssyncadd.remote.s32 $0x1  }
0xbe: {  	_ =	sfence.sel $0xFFFF  }
0xbf: {  	[dreg:$0x0] =	wrdreg $0xFFFFFFFF;
	(pc) =	sbr.abs _section_cstart, $3  }
0xc0: {  	[dreg:$0x1] =	wrdreg $0xFFFFFFFF  }
0xc1: {  	_ =	task.clear_ibuf [dreg:s7], $0x2FFFF;
	_ =	strace $0x9FFFFFFF  }
0xc2: {  	(tm) =	ssettm $0x7FFFFFFF  }
0xc3: {  	_ =	shalt  }
tec
execute0_lowered:
.L_overlay_start_1:
0x0: {  	(tag) =	ssettag $0x1  }
0x1: {  	s0 =	rddreg [dreg:$0x0]  }
0x2: {  	s1 =	rddreg [dreg:$0x1]  }
0x3: {  	s2 =	srdreg.scid;
	s8 =	stileid.u32;
	s9 =	simm.s32 $0x200  }
0x4: {  	s11 =	simm.s32 $0x5;
	s12 =	simm.s32 $0x80;
	s13 =	simm.s32 $0x6400  }
0x5: {  	s14 =	simm.s32 $0x8400;
	s16 =	simm.s32 $0xA400;
	s17 =	simm.s32 $0x180  }
0x6: {  	s18 =	simm.s32 $0xC400;
	s19 =	simm.s32 $0xE400;
	s20 =	simm.s32 $0x280  }
0x7: {  	s21 =	simm.s32 $0x10400;
	s28 =	simm.s32 $0x3;
	s29 =	simm.s32 $0x2  }
0x8: {  	s30 =	simm.s32 $0x4;
	s31 =	simm.s32 $0x0;
	s7 =	sand.u32 $0x1, s2  }
0x9: {  	s2 =	simm.s32 $0x0;
	s3 =	sshll.u32 s8, $0xA;
	s8 =	sshll.u32 s8, $0xD  }
0xa: {  	s4 =	sshll.u32 s7, $0x9;
	[smem:$0x7FF] =	sst s2;
	s22 =	ssub.s32 $0x2, s7  }
0xb: {  	s26 =	sshll.u32 s7, $0xC;
	s5 =	sor.u32 s4, s3;
	_ =	strace $0x80000047  }
0xc: {  	s23 =	sshrl.u32 s22, $0x1;
	s3 =	sshrl.u32 s5, $0x3;
	s24 =	sshll.u32 s5, $0x3  }
0xd: {  	s6 =	sadd.s32 s3, s0;
	s3 =	sadd.s32 $0xF42A00, s0;
	s0 =	ssub.s32 s22, s23  }
0xe: {  	s25 =	sadd.s32 s24, s1;
	s1 =	sadd.s32 s8, s1;
	s22 =	simm.s32 $0x300  }
0xf: {  	s23 =	simm.s32 $0x12400;
	s24 =	simm.s32 $0x380;
	s4 =	sadd.s32 $0x600, s6  }
0x10: {  	s5 =	smax.u32 s0, $0x1;
	s6 =	sadd.s32 $0x600000, s25;
	s7 =	sadd.s32 $0x620000, s25  }
0x11: {  	s8 =	sadd.s32 s26, s1;
	s25 =	simm.s32 $0x14400;
	s26 =	simm.s32 $0x1  }
.LBB2_1:
0x12: {  	s0 =	simm.s32 $0x4000  }
0x13: {  	[tilespmem:s2], [sflag:$0x5] =	stream.strided.gather [hbm4b:s4+s9], $0x6400, s0, s9, $0x38;
	[tilespmem:$0x16400] =	vst v63  }
0x14: {  	_ =	swait.ge [sflag:s11], $0x6400  }
0x15: {  	[sflag:s11] =	ssyncset.done $0x0  }
0x16: {  	[sflag:s11] =	ssyncadd.s32 $0xFFFF9C00  }
0x17: {  	[tilespmem:s13], [sflag:$0x1] =	stream.indirect.gather [hbm4b:s3+s12], $0x40, s2, s12, $0xb8;
	[tilespmem:$0x16400] =	vst v63  }
0x18: {  	_ = 	snop  }
0x19: {  	[tilespmem:s14], [sflag:$0x1] =	stream.indirect.gather [hbm4b:s3+s12], $0x40, s12, s12, $0xb8;
	[tilespmem:$0x16400] =	vst v63  }
0x1a: {  	s1 =	simm.s32 $0x100  }
0x1b: {  	[tilespmem:s16], [sflag:$0x1] =	stream.indirect.gather [hbm4b:s3+s12], $0x40, s1, s12, $0xb8;
	[tilespmem:$0x16400] =	vst v63  }
0x1c: {  	_ = 	snop  }
0x1d: {  	[tilespmem:s18], [sflag:$0x1] =	stream.indirect.gather [hbm4b:s3+s12], $0x40, s17, s12, $0xb8;
	[tilespmem:$0x16400] =	vst v63  }
0x1e: {  	_ = 	snop  }
0x1f: {  	[tilespmem:s19], [sflag:$0x2] =	stream.indirect.gather [hbm4b:s3+s12], $0x40, s9, s12, $0xb8;
	[tilespmem:$0x16400] =	vst v63  }
0x20: {  	_ = 	snop  }
0x21: {  	[tilespmem:s21], [sflag:$0x2] =	stream.indirect.gather [hbm4b:s3+s12], $0x40, s20, s12, $0xb8;
	[tilespmem:$0x16400] =	vst v63  }
0x22: {  	_ = 	snop  }
0x23: {  	[tilespmem:s23], [sflag:$0x2] =	stream.indirect.gather [hbm4b:s3+s12], $0x40, s22, s12, $0xb8;
	[tilespmem:$0x16400] =	vst v63  }
0x24: {  	_ = 	snop  }
0x25: {  	[tilespmem:s25], [sflag:$0x2] =	stream.indirect.gather [hbm4b:s3+s12], $0x40, s24, s12, $0xb8;
	[tilespmem:$0x16400] =	vst v63  }
0x26: {  	_ =	swait.ge [sflag:s26], $0x2000  }
0x27: {  	[sflag:s26] =	ssyncset.done $0x0  }
0x28: {  	[sflag:s26] =	ssyncadd.s32 $0xFFFFE000  }
0x29: {  	_ =	swait.ge [sflag:s26], $0x2000  }
0x2a: {  	[sflag:s26] =	ssyncset.done $0x0  }
0x2b: {  	[sflag:s26] =	ssyncadd.s32 $0xFFFFE000  }
0x2c: {  	_ =	swait.ge [sflag:s26], $0x2000  }
0x2d: {  	[sflag:s26] =	ssyncset.done $0x0  }
0x2e: {  	[sflag:s26] =	ssyncadd.s32 $0xFFFFE000  }
0x2f: {  	_ =	swait.ge [sflag:s26], $0x2000  }
0x30: {  	[sflag:s26] =	ssyncset.done $0x0  }
0x31: {  	[sflag:s26] =	ssyncadd.s32 $0xFFFFE000  }
0x32: {  	[hbm4b:s8+s2] =	stream.linear.scatter [tilespmem:s13], [sflag:$0x3], $0x8000, $0x38;
	[tilespmem:$0x16400] =	vst v63  }
0x33: {  	_ =	swait.ge [sflag:s28], $0x8000  }
0x34: {  	[sflag:s28] =	ssyncset.done $0x0  }
0x35: {  	s10 =	simm.s32 $0x400;
	[sflag:s28] =	ssyncadd.s32 $0xFFFF8000  }
0x36: {  	[tilespmem:s13], [sflag:$0x1] =	stream.indirect.gather [hbm4b:s3+s12], $0x40, s10, s12, $0xb8;
	[tilespmem:$0x16400] =	vst v63  }
0x37: {  	s15 =	simm.s32 $0x480  }
0x38: {  	[tilespmem:s14], [sflag:$0x1] =	stream.indirect.gather [hbm4b:s3+s12], $0x40, s15, s12, $0xb8;
	[tilespmem:$0x16400] =	vst v63  }
0x39: {  	s1 =	simm.s32 $0x500  }
0x3a: {  	[tilespmem:s16], [sflag:$0x1] =	stream.indirect.gather [hbm4b:s3+s12], $0x40, s1, s12, $0xb8;
	[tilespmem:$0x16400] =	vst v63  }
0x3b: {  	s10 =	simm.s32 $0x580  }
0x3c: {  	[tilespmem:s18], [sflag:$0x1] =	stream.indirect.gather [hbm4b:s3+s12], $0x40, s10, s12, $0xb8;
	[tilespmem:$0x16400] =	vst v63  }
0x3d: {  	_ =	swait.ge [sflag:s29], $0x2000  }
0x3e: {  	[sflag:s29] =	ssyncset.done $0x0  }
0x3f: {  	[sflag:s29] =	ssyncadd.s32 $0xFFFFE000  }
0x40: {  	_ =	swait.ge [sflag:s29], $0x2000  }
0x41: {  	[sflag:s29] =	ssyncset.done $0x0  }
0x42: {  	[sflag:s29] =	ssyncadd.s32 $0xFFFFE000  }
0x43: {  	_ =	swait.ge [sflag:s29], $0x2000  }
0x44: {  	[sflag:s29] =	ssyncset.done $0x0  }
0x45: {  	[sflag:s29] =	ssyncadd.s32 $0xFFFFE000  }
0x46: {  	_ =	swait.ge [sflag:s29], $0x2000  }
0x47: {  	[sflag:s29] =	ssyncset.done $0x0  }
0x48: {  	s15 =	sadd.s32 $0x20000, s8;
	[sflag:s29] =	ssyncadd.s32 $0xFFFFE000  }
0x49: {  	[hbm4b:s15+s2] =	stream.linear.scatter [tilespmem:s19], [sflag:$0x4], $0x8000, $0x38;
	[tilespmem:$0x16400] =	vst v63  }
0x4a: {  	_ =	swait.ge [sflag:s30], $0x8000  }
0x4b: {  	[sflag:s30] =	ssyncset.done $0x0  }
0x4c: {  	s1 =	simm.s32 $0x600;
	[sflag:s30] =	ssyncadd.s32 $0xFFFF8000  }
0x4d: {  	[tilespmem:s19], [sflag:$0x2] =	stream.indirect.gather [hbm4b:s3+s12], $0x40, s1, s12, $0xb8;
	[tilespmem:$0x16400] =	vst v63  }
0x4e: {  	s0 =	simm.s32 $0x1000;
	s10 =	simm.s32 $0x680  }
0x4f: {  	[tilespmem:s21], [sflag:$0x2] =	stream.indirect.gather [hbm4b:s3+s12], $0x40, s10, s12, $0xb8;
	[tilespmem:$0x16400] =	vst v63  }
0x50: {  	s15 =	simm.s32 $0x700;
	s1 =	sadd.s32 $0x40000, s8;
	s10 =	simm.s32 $0x780  }
0x51: {  	[tilespmem:s23], [sflag:$0x2] =	stream.indirect.gather [hbm4b:s3+s12], $0x40, s15, s12, $0xb8;
	[tilespmem:$0x16400] =	vst v63  }
.LBB2_2:
0x52: {  	[tilespmem:s25], [sflag:$0x2] =	stream.indirect.gather [hbm4b:s3+s12], $0x40, s10, s12, $0xb8;
	[tilespmem:$0x16400] =	vst v63  }
0x53: {  	s10 =	smov.u32 s0  }
0x54: {  	p0 =	sne.s32 s0, $0x17000;
	s0 =	sadd.s32 $0x1000, s0;
	_ =	swait.ge [sflag:s26], $0x2000  }
0x55: {  	[sflag:s26] =	ssyncset.done $0x0  }
0x56: {  	[sflag:s26] =	ssyncadd.s32 $0xFFFFE000  }
0x57: {  	_ =	swait.ge [sflag:s26], $0x2000  }
0x58: {  	[sflag:s26] =	ssyncset.done $0x0  }
0x59: {  	[sflag:s26] =	ssyncadd.s32 $0xFFFFE000  }
0x5a: {  	_ =	swait.ge [sflag:s26], $0x2000  }
0x5b: {  	[sflag:s26] =	ssyncset.done $0x0  }
0x5c: {  	[sflag:s26] =	ssyncadd.s32 $0xFFFFE000  }
0x5d: {  	_ =	swait.ge [sflag:s26], $0x2000  }
0x5e: {  	[sflag:s26] =	ssyncset.done $0x0  }
0x5f: {  	[sflag:s26] =	ssyncadd.s32 $0xFFFFE000  }
0x60: {  	[hbm4b:s1+s2] =	stream.linear.scatter [tilespmem:s13], [sflag:$0x3], $0x8000, $0x38;
	[tilespmem:$0x16400] =	vst v63  }
0x61: {  	_ =	swait.ge [sflag:s28], $0x8000  }
0x62: {  	s10 =	sshra.s32 s10, $0x2;
	[sflag:s28] =	ssyncset.done $0x0  }
0x63: {  	s15 =	sadd.s32 $0x400, s10;
	[sflag:s28] =	ssyncadd.s32 $0xFFFF8000  }
0x64: {  	[tilespmem:s13], [sflag:$0x1] =	stream.indirect.gather [hbm4b:s3+s12], $0x40, s15, s12, $0xb8;
	[tilespmem:$0x16400] =	vst v63  }
0x65: {  	s15 =	sadd.s32 $0x480, s10  }
0x66: {  	[tilespmem:s14], [sflag:$0x1] =	stream.indirect.gather [hbm4b:s3+s12], $0x40, s15, s12, $0xb8;
	[tilespmem:$0x16400] =	vst v63  }
0x67: {  	s15 =	sadd.s32 $0x500, s10  }
0x68: {  	[tilespmem:s16], [sflag:$0x1] =	stream.indirect.gather [hbm4b:s3+s12], $0x40, s15, s12, $0xb8;
	[tilespmem:$0x16400] =	vst v63  }
0x69: {  	s15 =	sadd.s32 $0x580, s10  }
0x6a: {  	[tilespmem:s18], [sflag:$0x1] =	stream.indirect.gather [hbm4b:s3+s12], $0x40, s15, s12, $0xb8;
	[tilespmem:$0x16400] =	vst v63  }
0x6b: {  	_ =	swait.ge [sflag:s29], $0x2000  }
0x6c: {  	[sflag:s29] =	ssyncset.done $0x0  }
0x6d: {  	[sflag:s29] =	ssyncadd.s32 $0xFFFFE000  }
0x6e: {  	_ =	swait.ge [sflag:s29], $0x2000  }
0x6f: {  	[sflag:s29] =	ssyncset.done $0x0  }
0x70: {  	[sflag:s29] =	ssyncadd.s32 $0xFFFFE000  }
0x71: {  	_ =	swait.ge [sflag:s29], $0x2000  }
0x72: {  	[sflag:s29] =	ssyncset.done $0x0  }
0x73: {  	[sflag:s29] =	ssyncadd.s32 $0xFFFFE000  }
0x74: {  	_ =	swait.ge [sflag:s29], $0x2000  }
0x75: {  	[sflag:s29] =	ssyncset.done $0x0  }
0x76: {  	s15 =	sadd.s32 $0x20000, s1;
	[sflag:s29] =	ssyncadd.s32 $0xFFFFE000  }
0x77: {  	[hbm4b:s15+s2] =	stream.linear.scatter [tilespmem:s19], [sflag:$0x4], $0x8000, $0x38;
	[tilespmem:$0x16400] =	vst v63  }
0x78: {  	_ =	swait.ge [sflag:s30], $0x8000  }
0x79: {  	[sflag:s30] =	ssyncset.done $0x0  }
0x7a: {  	s15 =	sadd.s32 $0x600, s10;
	[sflag:s30] =	ssyncadd.s32 $0xFFFF8000  }
0x7b: {  	[tilespmem:s19], [sflag:$0x2] =	stream.indirect.gather [hbm4b:s3+s12], $0x40, s15, s12, $0xb8;
	[tilespmem:$0x16400] =	vst v63  }
.Ltmp0:
0x7c: {  	s15 =	sadd.s32 $0x680, s10;
	(pc) =	sbr.rel @p0 .LBB2_2-.Ltmp0, $4  }
0x7d: {  	[tilespmem:s21], [sflag:$0x2] =	stream.indirect.gather [hbm4b:s3+s12], $0x40, s15, s12, $0xb8;
	[tilespmem:$0x16400] =	vst v63  }
0x7e: {  	s15 =	sadd.s32 $0x700, s10  }
0x7f: {  	[tilespmem:s23], [sflag:$0x2] =	stream.indirect.gather [hbm4b:s3+s12], $0x40, s15, s12, $0xb8;
	[tilespmem:$0x16400] =	vst v63  }
0x80: {  	s1 =	sadd.s32 $0x40000, s1;
	s10 =	sadd.s32 $0x780, s10  }
0x81: {  	[tilespmem:s25], [sflag:$0x2] =	stream.indirect.gather [hbm4b:s3+s12], $0x40, s10, s12, $0xb8;
	[tilespmem:$0x16400] =	vst v63  }
0x82: {  	_ =	swait.ge [sflag:s26], $0x2000  }
0x83: {  	[sflag:s26] =	ssyncset.done $0x0  }
0x84: {  	[sflag:s26] =	ssyncadd.s32 $0xFFFFE000  }
0x85: {  	_ =	swait.ge [sflag:s26], $0x2000  }
0x86: {  	[sflag:s26] =	ssyncset.done $0x0  }
0x87: {  	[sflag:s26] =	ssyncadd.s32 $0xFFFFE000  }
0x88: {  	_ =	swait.ge [sflag:s26], $0x2000  }
0x89: {  	[sflag:s26] =	ssyncset.done $0x0  }
0x8a: {  	[sflag:s26] =	ssyncadd.s32 $0xFFFFE000  }
0x8b: {  	_ =	swait.ge [sflag:s26], $0x2000  }
0x8c: {  	[sflag:s26] =	ssyncset.done $0x0  }
0x8d: {  	[sflag:s26] =	ssyncadd.s32 $0xFFFFE000  }
0x8e: {  	[hbm4b:s6+s2] =	stream.linear.scatter [tilespmem:s13], [sflag:$0x3], $0x8000, $0x38;
	[tilespmem:$0x16400] =	vst v63  }
0x8f: {  	_ =	swait.ge [sflag:s28], $0x8000  }
0x90: {  	[sflag:s28] =	ssyncset.done $0x0  }
0x91: {  	[sflag:s28] =	ssyncadd.s32 $0xFFFF8000  }
0x92: {  	_ =	swait.ge [sflag:s29], $0x2000  }
0x93: {  	[sflag:s29] =	ssyncset.done $0x0  }
0x94: {  	[sflag:s29] =	ssyncadd.s32 $0xFFFFE000  }
0x95: {  	_ =	swait.ge [sflag:s29], $0x2000  }
0x96: {  	[sflag:s29] =	ssyncset.done $0x0  }
0x97: {  	[sflag:s29] =	ssyncadd.s32 $0xFFFFE000  }
0x98: {  	_ =	swait.ge [sflag:s29], $0x2000  }
0x99: {  	[sflag:s29] =	ssyncset.done $0x0  }
0x9a: {  	[sflag:s29] =	ssyncadd.s32 $0xFFFFE000  }
0x9b: {  	s31 =	sadd.s32 $0x1, s31;
	_ =	swait.ge [sflag:s29], $0x2000  }
0x9c: {  	p0 =	sne.s32 s31, s5;
	[sflag:s29] =	ssyncset.done $0x0  }
.Ltmp1:
0x9d: {  	[sflag:s29] =	ssyncadd.s32 $0xFFFFE000;
	(pc) =	sbr.rel @p0 .LBB2_1-.Ltmp1, $4  }
0x9e: {  	[hbm4b:s7+s2] =	stream.linear.scatter [tilespmem:s19], [sflag:$0x4], $0x8000, $0x38;
	[tilespmem:$0x16400] =	vst v63  }
0x9f: {  	_ =	swait.ge [sflag:s30], $0x8000  }
0xa0: {  	[sflag:s30] =	ssyncset.done $0x0  }
0xa1: {  	[sflag:s30] =	ssyncadd.s32 $0xFFFF8000  }
0xa2: {  	_ =	sfence.sel $0x180000  }
0xa3: {  	[bflag:$0x0] =	sbarrier.arrive $0xFFFF  }
0xa4: {  	_ =	strace $0x90000047  }
0xa5: {  	s0 =	stileid.u32;
	[bflag:$0x2] =	sbarrier.arrive $0xFFFF  }
0xa6: {  	p0 =	sne.s32 s0, $0x0;
	s0 =	rddreg [dreg:$0x2]  }
0xa7: {  	s0 =	sadd.s32 @!p0 $0x100000, s0  }
0xa8: {  	[sflag:s0] =	ssyncadd.tile.s32 @!p0 $0x1;
	_ =	shalt  }
.Lfunc_end2:
_tile_overlayer_lowered:
.L_overlay_start_2:
0xa9: {  	(tag) =	ssettag $0x2  }
0xaa: {  	s0 =	rddreg [dreg:$0x0];
	s2 =	stileid.u32  }
0xab: {  	s1 =	rddreg [dreg:$0x1];
	p0 =	sne.s32 s2, $0x0  }
0xac: {  	s3 =	rddreg [dreg:$0x2];
	[bflag:$0x3] =	sbarrier.arrive $0xFFFF;
	s2 =	simm.s32 @!p0 $0x1C05  }
0xad: {  	[timem:s3], [sflag:s2] =	dma.local @!p0 [hbm:s0], s1  }
0xae: {  	s0 =	simm.s32 @!p0 $0x5  }
0xaf: {  	_ =	swait.ge @!p0 [sflag:s0], s1  }
0xb0: {  	s1 =	ssub.s32 @!p0 $0x0, s1;
	[sflag:s0] =	ssyncset.done @!p0 $0x0  }
0xb1: {  	[sflag:s0] =	ssyncadd.s32 @!p0 s1  }
0xb2: {  	[bflag:$0x3] =	sbarrier.arrive $0xFFFF  }
0xb3: {  	_ =	shalt  }

</sc_bundles>
